<compile_context>
chip_gen: v7x
topology: tpu7x:2x2x1
jax: 0.10.2.dev20260603
libtpu: 0.0.44.dev20260713+nightly
codegen_flags: <defaults>
</compile_context>

<pallas_src>
import jax
import jax.numpy as jnp
from jax.experimental import pallas as pl
from jax.experimental.pallas import tpu as pltpu
from jax.experimental.pallas import tpu_sc as plsc

_MAX_SEQLEN = 4096
_SEG_W = 4096
_TQ = 512
_TK = 2048
_NSHIFT = 8


def _tc_add_kernel(seg_ref, attn_ref, out_ref, u_ref):
    i = pl.program_id(1)

    @pl.when(i == 0)
    def _build_u():
        seg = seg_ref[0, 0, :]
        v = jnp.broadcast_to(seg[None, :], (8, _SEG_W))
        row = jax.lax.broadcasted_iota(jnp.int32, (8, _SEG_W), 0)
        for t in range(3):
            n = 1 << t
            rolled = pltpu.roll(v, _SEG_W - n, axis=1)
            v = jnp.where((row & n) == 0, rolled, v)
        for a in range(_TQ // 8):
            n = _TQ - 8 - 8 * a
            slab = pltpu.roll(v, _SEG_W - n, axis=1) if n else v
            u_ref[8 * a:8 * (a + 1), :] = slab

    for ii in range(2048 // _TQ):
        @pl.when(i == ii)
        def _consume(ii=ii):
            x0 = (_MAX_SEQLEN // 2 - _TQ) - _TQ * ii
            out_ref[0, 0] = attn_ref[0, 0] + u_ref[:, x0:x0 + _TK]


def _tc_out(attn_mtx, seg):
    b, h, q, k = attn_mtx.shape
    blk = pl.BlockSpec((1, 1, _TQ, _TK), lambda hh, ii: (0, hh, ii, 0))
    return pl.pallas_call(
        _tc_add_kernel,
        grid=(h, q // _TQ),
        in_specs=[
            pl.BlockSpec((1, 1, _SEG_W), lambda hh, ii: (hh, 0, 0)),
            blk,
        ],
        out_specs=blk,
        out_shape=jax.ShapeDtypeStruct((b, h, q, k), jnp.float32),
        scratch_shapes=[pltpu.VMEM((_TQ, _SEG_W), jnp.float32)],
        compiler_params=pltpu.CompilerParams(
            dimension_semantics=("parallel", "arbitrary"),
        ),
    )(seg, attn_mtx)


def _sc_bias(seg_shift, nh, nq, nk):
    mesh = plsc.VectorSubcoreMesh(core_axis_name="c", subcore_axis_name="s")
    heads_per_core = nh // 2
    groups_per_head = nq // 8
    groups_per_tec = groups_per_head // 16

    @pl.kernel(
        out_type=jax.ShapeDtypeStruct((nh * nq, nk), jnp.float32),
        mesh=mesh,
        scratch_types=[
            pltpu.VMEM_SHARED((128, _SEG_W), jnp.float32),
            pltpu.SemaphoreType.DMA,
        ],
    )
    def body(seg_hbm, bias_hbm, s2, sem):
        c = jax.lax.axis_index("c")
        s = jax.lax.axis_index("s")

        @pl.loop(0, heads_per_core)
        def _per_head(hh):
            h = c * heads_per_core + hh
            @pl.when(s == 0)
            def _stage():
                pltpu.sync_copy(seg_hbm.at[h], s2)

            plsc.subcore_barrier()

            def issue(gi):
                g = s * groups_per_tec + gi
                start0 = (nq - 1) - 8 * g
                j0 = start0 & 127
                sub0 = pl.multiple_of(127 - j0, 8)
                base = pl.multiple_of(start0 - j0, 128)
                dst = pl.multiple_of(h * nq + 8 * g, 8)
                pltpu.make_async_copy(
                    s2.at[pl.ds(sub0, 8), pl.ds(base, nk)],
                    bias_hbm.at[pl.ds(dst, 8), :],
                    sem,
                ).start()

            @pl.loop(0, groups_per_tec)
            def _issue_all(gi):
                issue(gi)

            @pl.loop(0, groups_per_tec)
            def _drain(_):
                pltpu.make_async_copy(
                    s2.at[pl.ds(0, 8), pl.ds(0, nk)],
                    bias_hbm.at[pl.ds(0, 8), :],
                    sem,
                ).wait()

            plsc.subcore_barrier()

    return body(seg_shift)


def kernel(attn_mtx, embedding_table):
    b, h, q, k = attn_mtx.shape
    assert (b, h, q, k) == (1, 16, 2048, 2048)
    seg2d = jnp.flip(embedding_table[2048:6143, :], axis=0).T
    segp = jnp.pad(seg2d, ((0, 0), (0, _SEG_W + 128 - seg2d.shape[1])))
    seg_shift = jnp.stack(
        [segp[:, 127 - r:127 - r + _SEG_W] for r in range(128)], axis=1
    )
    seg3d = segp[:, None, :_SEG_W]

    bias = _sc_bias(seg_shift, h, q, k).reshape(b, h, q, k)
    out = _tc_out(attn_mtx, seg3d)
    return out, bias

# --- scband reference (transcript-rebuilt; emitter-appended) ---
"""Pipeline reference for scband-relative-learned-embedding-26079041421637 (READ-ONLY COPY).

The authoritative reference and input builder live on the scoring server;
editing this copy changes nothing except your own understanding.
"""

import jax, jax.numpy as jnp
import numpy as np

MAX_SEQLEN = 4096
NUM_HEADS = 16
NUM_REL = 2 * MAX_SEQLEN - 1  # 8191
B, H, Q, K = 1, 16, 2048, 2048


def setup_inputs(seed: int = 0) -> dict:
    key = jax.random.key(seed)
    k1, k2 = jax.random.split(key)
    attn_mtx = jax.random.normal(k1, (B, H, Q, K), dtype=jnp.float32)
    embedding_table = jax.random.normal(k2, (NUM_REL, NUM_HEADS), dtype=jnp.float32) * 0.02
    return {"attn_mtx": attn_mtx, "embedding_table": embedding_table}


def reference(attn_mtx, embedding_table):
    q_len = attn_mtx.shape[2]
    k_len = attn_mtx.shape[3]
    query_start_pos = 0
    query_position = jnp.arange(query_start_pos, q_len, dtype=jnp.int32)[:, None]
    key_position = jnp.arange(0, k_len, dtype=jnp.int32)[None, :]
    relative_position = query_position - key_position + MAX_SEQLEN - 1
    relative_position = jnp.clip(relative_position, 0, NUM_REL - 1)
    # embedding lookup: gather [Q, K] rows from the (NUM_REL, H) table
    bias = jnp.take(embedding_table, relative_position, axis=0)  # [Q, K, H]
    bias = jnp.transpose(bias, (2, 0, 1))[None, :, :, :]  # [1, H, Q, K]
    return (attn_mtx + bias, bias)

if __name__ == "__main__":
    import jax
    _d = setup_inputs()
    print(jax.jit(kernel)(*tuple(_d.values())))

</pallas_src>

<mosaic_0001>
#map = affine_map<(d0, d1) -> (0, 0, 0)>
#map1 = affine_map<(d0, d1) -> (0, 0)>
module attributes {stable_mosaic.version = 14 : i64} {
  func.func @body(%arg0: i32, %arg1: i32, %arg2: memref<16x128x4096xf32, #tpu.memory_space<hbm>>, %arg3: memref<32768x2048xf32, #tpu.memory_space<hbm>>, %arg4: memref<128x4096xf32, #tpu.memory_space<vmem_shared>>, %arg5: memref<!tpu.dma_semaphore, #tpu.memory_space<semaphore_mem>>) attributes {dimension_semantics = [#tpu.dimension_semantics<core_parallel>, #tpu.dimension_semantics<subcore_parallel>], iteration_bounds = array<i64: 2, 16>, scalar_prefetch = 0 : i64, scratch_operands = 2 : i64, tpu.core_type = #tpu.core_type<sc_vector_subcore>, window_params = [{transform_indices = #map}, {transform_indices = #map1}]} {
    %scan3A = arith.constant 0 : i32
    %scan3A_0 = arith.constant 8 : i32
    %scan3A_1 = arith.addi %scan3A, %scan3A_0 : i32
    %scan3A_2 = arith.constant 1 : i32
    scf.for %scan3A_4 = %scan3A to %scan3A_1 step %scan3A_2  : i32 {
      %mul3A = arith.constant 1 : i32
      %mul3A_5 = arith.muli %scan3A_4, %mul3A : i32
      %add3A = arith.constant 0 : i32
      %add3A_6 = arith.addi %add3A, %mul3A_5 : i32
      %mul3A_7 = arith.constant 8 : i32
      %mul3A_8 = arith.muli %arg0, %mul3A_7 : i32
      %add3A_9 = arith.addi %mul3A_8, %add3A_6 : i32
      %eq3A = arith.constant 0 : i32
      %eq3A_10 = arith.cmpi eq, %arg1, %eq3A : i32
      %convert_element_type3A = arith.extui %eq3A_10 : i1 to i32
      %cond3A = arith.constant 0 : i32
      %cond3A_11 = arith.cmpi ne, %convert_element_type3A, %cond3A : i32
      scf.if %cond3A_11 {
        "tpu.region"() ({
          %run_scoped3A = tpu.sem_alloc : memref<!tpu.dma_semaphore, #tpu.memory_space<semaphore_mem>>
          %dma_start3A = arith.constant 0 : i32
          %dma_start3A_23 = arith.constant 0 : i32
          %dma_start3A_24 = tpu.memref_slice %arg2[%add3A_9, %dma_start3A, %dma_start3A_23] : memref<16x128x4096xf32, #tpu.memory_space<hbm>> -> memref<1x128x4096xf32, #tpu.memory_space<hbm>>
          %dma_start3A_25 = tpu.memref_squeeze %dma_start3A_24 : memref<1x128x4096xf32, #tpu.memory_space<hbm>> -> memref<128x4096xf32, #tpu.memory_space<hbm>>
          tpu.enqueue_dma source(%dma_start3A_25 : memref<128x4096xf32, #tpu.memory_space<hbm>>) target(%arg4 : memref<128x4096xf32, #tpu.memory_space<vmem_shared>>) target_semaphore(%run_scoped3A : memref<!tpu.dma_semaphore, #tpu.memory_space<semaphore_mem>>)
          %dma_wait3A = arith.constant 0 : i32
          %dma_wait3A_26 = arith.constant 0 : i32
          %dma_wait3A_27 = tpu.memref_slice %arg2[%add3A_9, %dma_wait3A, %dma_wait3A_26] : memref<16x128x4096xf32, #tpu.memory_space<hbm>> -> memref<1x128x4096xf32, #tpu.memory_space<hbm>>
          %dma_wait3A_28 = tpu.memref_squeeze %dma_wait3A_27 : memref<1x128x4096xf32, #tpu.memory_space<hbm>> -> memref<128x4096xf32, #tpu.memory_space<hbm>>
          tpu.wait_dma2 semaphore(%run_scoped3A : memref<!tpu.dma_semaphore, #tpu.memory_space<semaphore_mem>>) src(%dma_wait3A_28 : memref<128x4096xf32, #tpu.memory_space<hbm>>) dst(%arg4 : memref<128x4096xf32, #tpu.memory_space<vmem_shared>>)
          tpu.yield
        }) : () -> ()
      } else {
      }
      %barrier3A = arith.constant 0 : index
      tpu.barrier barrier_id(%barrier3A)
      %scan3A_12 = arith.constant 0 : i32
      %scan3A_13 = arith.constant 16 : i32
      %scan3A_14 = arith.addi %scan3A_12, %scan3A_13 : i32
      %scan3A_15 = arith.constant 1 : i32
      scf.for %scan3A_23 = %scan3A_12 to %scan3A_14 step %scan3A_15  : i32 {
        %mul3A_24 = arith.constant 1 : i32
        %mul3A_25 = arith.muli %scan3A_23, %mul3A_24 : i32
        %add3A_26 = arith.constant 0 : i32
        %add3A_27 = arith.addi %add3A_26, %mul3A_25 : i32
        %mul3A_28 = arith.constant 16 : i32
        %mul3A_29 = arith.muli %arg1, %mul3A_28 : i32
        %add3A_30 = arith.addi %mul3A_29, %add3A_27 : i32
        %mul3A_31 = arith.constant 8 : i32
        %mul3A_32 = arith.muli %mul3A_31, %add3A_30 : i32
        %sub3A = arith.constant 2047 : i32
        %sub3A_33 = arith.subi %sub3A, %mul3A_32 : i32
        %and3A = arith.constant 127 : i32
        %and3A_34 = arith.andi %sub3A_33, %and3A : i32
        %sub3A_35 = arith.constant 127 : i32
        %sub3A_36 = arith.subi %sub3A_35, %and3A_34 : i32
        %multiple_of3A = tpu.assume_multiple %sub3A_36, 8 : i32
        %sub3A_37 = arith.subi %sub3A_33, %and3A_34 : i32
        %multiple_of3A_38 = tpu.assume_multiple %sub3A_37, 128 : i32
        %mul3A_39 = arith.constant 2048 : i32
        %mul3A_40 = arith.muli %add3A_9, %mul3A_39 : i32
        %mul3A_41 = arith.constant 8 : i32
        %mul3A_42 = arith.muli %mul3A_41, %add3A_30 : i32
        %add3A_43 = arith.addi %mul3A_40, %mul3A_42 : i32
        %multiple_of3A_44 = tpu.assume_multiple %add3A_43, 8 : i32
        %dma_start3A = arith.constant 0 : i32
        %dma_start3A_45 = tpu.memref_slice %arg3[%multiple_of3A_44, %dma_start3A] : memref<32768x2048xf32, #tpu.memory_space<hbm>> -> memref<8x2048xf32, #tpu.memory_space<hbm>>
        %dma_start3A_46 = tpu.memref_slice %arg4[%multiple_of3A, %multiple_of3A_38] : memref<128x4096xf32, #tpu.memory_space<vmem_shared>> -> memref<8x2048xf32, #tpu.memory_space<vmem_shared>>
        tpu.enqueue_dma source(%dma_start3A_46 : memref<8x2048xf32, #tpu.memory_space<vmem_shared>>) target(%dma_start3A_45 : memref<8x2048xf32, #tpu.memory_space<hbm>>) target_semaphore(%arg5 : memref<!tpu.dma_semaphore, #tpu.memory_space<semaphore_mem>>)
      }
      %scan3A_16 = arith.constant 16 : i32
      %scan3A_17 = arith.constant 0 : i32
      %scan3A_18 = arith.constant 16 : i32
      %scan3A_19 = arith.addi %scan3A_17, %scan3A_18 : i32
      %scan3A_20 = arith.constant 1 : i32
      scf.for %scan3A_23 = %scan3A_17 to %scan3A_19 step %scan3A_20  : i32 {
        %mul3A_24 = arith.constant 1 : i32
        %mul3A_25 = arith.muli %scan3A_23, %mul3A_24 : i32
        %add3A_26 = arith.constant 0 : i32
        %add3A_27 = arith.addi %add3A_26, %mul3A_25 : i32
        %dma_wait3A = arith.constant 0 : i32
        %dma_wait3A_28 = arith.constant 0 : i32
        %dma_wait3A_29 = tpu.memref_slice %arg3[%dma_wait3A, %dma_wait3A_28] : memref<32768x2048xf32, #tpu.memory_space<hbm>> -> memref<8x2048xf32, #tpu.memory_space<hbm>>
        %dma_wait3A_30 = arith.constant 0 : i32
        %dma_wait3A_31 = arith.constant 0 : i32
        %dma_wait3A_32 = tpu.memref_slice %arg4[%dma_wait3A_30, %dma_wait3A_31] : memref<128x4096xf32, #tpu.memory_space<vmem_shared>> -> memref<8x2048xf32, #tpu.memory_space<vmem_shared>>
        tpu.wait_dma2 semaphore(%arg5 : memref<!tpu.dma_semaphore, #tpu.memory_space<semaphore_mem>>) src(%dma_wait3A_32 : memref<8x2048xf32, #tpu.memory_space<vmem_shared>>) dst(%dma_wait3A_29 : memref<8x2048xf32, #tpu.memory_space<hbm>>)
      }
      %scan3A_21 = arith.constant 16 : i32
      %barrier3A_22 = arith.constant 0 : index
      tpu.barrier barrier_id(%barrier3A_22)
    }
    %scan3A_3 = arith.constant 8 : i32
    return
  }
}

module attributes {stable_mosaic.version = 14 : i64} {
  func.func @_tc_add_kernel(%arg0: i32, %arg1: i32, %arg2: memref<1x1x4096xf32, #tpu.memory_space<vmem>>, %arg3: memref<1x1x512x2048xf32, #tpu.memory_space<vmem>>, %arg4: memref<1x1x512x2048xf32, #tpu.memory_space<vmem>>, %arg5: memref<512x4096xf32, #tpu.memory_space<vmem>>) attributes {dimension_semantics = [#tpu.dimension_semantics<parallel>, #tpu.dimension_semantics<arbitrary>], iteration_bounds = array<i64: 16, 4>, scalar_prefetch = 0 : i64, scratch_operands = 1 : i64, tpu.core_type = #tpu.core_type<tc>, window_params = [{transform_indices = @transform_0, window_bounds = array<i64: 1, 1, 4096>}, {transform_indices = @transform_1, window_bounds = array<i64: 1, 1, 512, 2048>}, {transform_indices = @transform_2, window_bounds = array<i64: 1, 1, 512, 2048>}]} {
    %eq3A = arith.constant 0 : i32
    %eq3A_0 = arith.cmpi eq, %arg1, %eq3A : i32
    %convert_element_type3A = arith.extui %eq3A_0 : i1 to i32
    %cond3A = arith.constant 0 : i32
    %cond3A_1 = arith.cmpi ne, %convert_element_type3A, %cond3A : i32
    scf.if %cond3A_1 {
      %get3A = arith.constant 0 : index
      %get3A_22 = arith.constant 0 : index
      %get3A_23 = arith.constant 0 : index
      %get3A_24 = vector.load %arg2[%get3A, %get3A_22, %get3A_23] : memref<1x1x4096xf32, #tpu.memory_space<vmem>>, vector<1x1x4096xf32>
      %get3A_25 = vector.shape_cast %get3A_24 : vector<1x1x4096xf32> to vector<4096xf32>
      %broadcast_in_dim3A = vector.shape_cast %get3A_25 : vector<4096xf32> to vector<1x4096xf32>
      %broadcast_in_dim3A_26 = vector.shape_cast %broadcast_in_dim3A : vector<1x4096xf32> to vector<1x4096xf32>
      %broadcast_in_dim3A_27 = vector.broadcast %broadcast_in_dim3A_26 : vector<1x4096xf32> to vector<8x4096xf32>
      %iota3A = tpu.iota {dimensions = array<i32: 0>} : vector<8x4096xi32>
      %roll3A = arith.constant 4095 : i32
      %roll3A_28 = tpu.dynamic_rotate %broadcast_in_dim3A_27 by %roll3A dim 1 : vector<8x4096xf32>, i32 -> vector<8x4096xf32>
      %and3A = arith.constant 1 : i32
      %and3A_29 = vector.broadcast %and3A : i32 to vector<8x4096xi32>
      %and3A_30 = arith.andi %iota3A, %and3A_29 : vector<8x4096xi32>
      %eq3A_31 = arith.constant 0 : i32
      %eq3A_32 = vector.broadcast %eq3A_31 : i32 to vector<8x4096xi32>
      %eq3A_33 = arith.cmpi eq, %and3A_30, %eq3A_32 : vector<8x4096xi32>
      %select_n3A = arith.select %eq3A_33, %roll3A_28, %broadcast_in_dim3A_27 : vector<8x4096xi1>, vector<8x4096xf32>
      %roll3A_34 = arith.constant 4094 : i32
      %roll3A_35 = tpu.dynamic_rotate %select_n3A by %roll3A_34 dim 1 : vector<8x4096xf32>, i32 -> vector<8x4096xf32>
      %and3A_36 = arith.constant 2 : i32
      %and3A_37 = vector.broadcast %and3A_36 : i32 to vector<8x4096xi32>
      %and3A_38 = arith.andi %iota3A, %and3A_37 : vector<8x4096xi32>
      %eq3A_39 = arith.constant 0 : i32
      %eq3A_40 = vector.broadcast %eq3A_39 : i32 to vector<8x4096xi32>
      %eq3A_41 = arith.cmpi eq, %and3A_38, %eq3A_40 : vector<8x4096xi32>
      %select_n3A_42 = arith.select %eq3A_41, %roll3A_35, %select_n3A : vector<8x4096xi1>, vector<8x4096xf32>
      %roll3A_43 = arith.constant 4092 : i32
      %roll3A_44 = tpu.dynamic_rotate %select_n3A_42 by %roll3A_43 dim 1 : vector<8x4096xf32>, i32 -> vector<8x4096xf32>
      %and3A_45 = arith.constant 4 : i32
      %and3A_46 = vector.broadcast %and3A_45 : i32 to vector<8x4096xi32>
      %and3A_47 = arith.andi %iota3A, %and3A_46 : vector<8x4096xi32>
      %eq3A_48 = arith.constant 0 : i32
      %eq3A_49 = vector.broadcast %eq3A_48 : i32 to vector<8x4096xi32>
      %eq3A_50 = arith.cmpi eq, %and3A_47, %eq3A_49 : vector<8x4096xi32>
      %select_n3A_51 = arith.select %eq3A_50, %roll3A_44, %select_n3A_42 : vector<8x4096xi1>, vector<8x4096xf32>
      %roll3A_52 = arith.constant 3592 : i32
      %roll3A_53 = tpu.dynamic_rotate %select_n3A_51 by %roll3A_52 dim 1 : vector<8x4096xf32>, i32 -> vector<8x4096xf32>
      %swap3A = arith.constant 0 : index
      %swap3A_54 = arith.constant 0 : index
      %swap3A_55 = vector.load %arg5[%swap3A, %swap3A_54] : memref<512x4096xf32, #tpu.memory_space<vmem>>, vector<8x4096xf32>
      tpu.vector_store %arg5[%swap3A, %swap3A_54], %roll3A_53 {strides = array<i32>} : memref<512x4096xf32, #tpu.memory_space<vmem>>, vector<8x4096xf32>,
      %roll3A_56 = arith.constant 3600 : i32
      %roll3A_57 = tpu.dynamic_rotate %select_n3A_51 by %roll3A_56 dim 1 : vector<8x4096xf32>, i32 -> vector<8x4096xf32>
      %swap3A_58 = arith.constant 8 : index
      %swap3A_59 = arith.constant 0 : index
      %swap3A_60 = vector.load %arg5[%swap3A_58, %swap3A_59] : memref<512x4096xf32, #tpu.memory_space<vmem>>, vector<8x4096xf32>
      tpu.vector_store %arg5[%swap3A_58, %swap3A_59], %roll3A_57 {strides = array<i32>} : memref<512x4096xf32, #tpu.memory_space<vmem>>, vector<8x4096xf32>,
      %roll3A_61 = arith.constant 3608 : i32
      %roll3A_62 = tpu.dynamic_rotate %select_n3A_51 by %roll3A_61 dim 1 : vector<8x4096xf32>, i32 -> vector<8x4096xf32>
      %swap3A_63 = arith.constant 16 : index
      %swap3A_64 = arith.constant 0 : index
      %swap3A_65 = vector.load %arg5[%swap3A_63, %swap3A_64] : memref<512x4096xf32, #tpu.memory_space<vmem>>, vector<8x4096xf32>
      tpu.vector_store %arg5[%swap3A_63, %swap3A_64], %roll3A_62 {strides = array<i32>} : memref<512x4096xf32, #tpu.memory_space<vmem>>, vector<8x4096xf32>,
      %roll3A_66 = arith.constant 3616 : i32
      %roll3A_67 = tpu.dynamic_rotate %select_n3A_51 by %roll3A_66 dim 1 : vector<8x4096xf32>, i32 -> vector<8x4096xf32>
      %swap3A_68 = arith.constant 24 : index
      %swap3A_69 = arith.constant 0 : index
      %swap3A_70 = vector.load %arg5[%swap3A_68, %swap3A_69] : memref<512x4096xf32, #tpu.memory_space<vmem>>, vector<8x4096xf32>
      tpu.vector_store %arg5[%swap3A_68, %swap3A_69], %roll3A_67 {strides = array<i32>} : memref<512x4096xf32, #tpu.memory_space<vmem>>, vector<8x4096xf32>,
      %roll3A_71 = arith.constant 3624 : i32
      %roll3A_72 = tpu.dynamic_rotate %select_n3A_51 by %roll3A_71 dim 1 : vector<8x4096xf32>, i32 -> vector<8x4096xf32>
      %swap3A_73 = arith.constant 32 : index
      %swap3A_74 = arith.constant 0 : index
      %swap3A_75 = vector.load %arg5[%swap3A_73, %swap3A_74] : memref<512x4096xf32, #tpu.memory_space<vmem>>, vector<8x4096xf32>
      tpu.vector_store %arg5[%swap3A_73, %swap3A_74], %roll3A_72 {strides = array<i32>} : memref<512x4096xf32, #tpu.memory_space<vmem>>, vector<8x4096xf32>,
      %roll3A_76 = arith.constant 3632 : i32
      %roll3A_77 = tpu.dynamic_rotate %select_n3A_51 by %roll3A_76 dim 1 : vector<8x4096xf32>, i32 -> vector<8x4096xf32>
      %swap3A_78 = arith.constant 40 : index
      %swap3A_79 = arith.constant 0 : index
      %swap3A_80 = vector.load %arg5[%swap3A_78, %swap3A_79] : memref<512x4096xf32, #tpu.memory_space<vmem>>, vector<8x4096xf32>
      tpu.vector_store %arg5[%swap3A_78, %swap3A_79], %roll3A_77 {strides = array<i32>} : memref<512x4096xf32, #tpu.memory_space<vmem>>, vector<8x4096xf32>,
      %roll3A_81 = arith.constant 3640 : i32
      %roll3A_82 = tpu.dynamic_rotate %select_n3A_51 by %roll3A_81 dim 1 : vector<8x4096xf32>, i32 -> vector<8x4096xf32>
      %swap3A_83 = arith.constant 48 : index
      %swap3A_84 = arith.constant 0 : index
      %swap3A_85 = vector.load %arg5[%swap3A_83, %swap3A_84] : memref<512x4096xf32, #tpu.memory_space<vmem>>, vector<8x4096xf32>
      tpu.vector_store %arg5[%swap3A_83, %swap3A_84], %roll3A_82 {strides = array<i32>} : memref<512x4096xf32, #tpu.memory_space<vmem>>, vector<8x4096xf32>,
      %roll3A_86 = arith.constant 3648 : i32
      %roll3A_87 = tpu.dynamic_rotate %select_n3A_51 by %roll3A_86 dim 1 : vector<8x4096xf32>, i32 -> vector<8x4096xf32>
      %swap3A_88 = arith.constant 56 : index
      %swap3A_89 = arith.constant 0 : index
      %swap3A_90 = vector.load %arg5[%swap3A_88, %swap3A_89] : memref<512x4096xf32, #tpu.memory_space<vmem>>, vector<8x4096xf32>
      tpu.vector_store %arg5[%swap3A_88, %swap3A_89], %roll3A_87 {strides = array<i32>} : memref<512x4096xf32, #tpu.memory_space<vmem>>, vector<8x4096xf32>,
      %roll3A_91 = arith.constant 3656 : i32
      %roll3A_92 = tpu.dynamic_rotate %select_n3A_51 by %roll3A_91 dim 1 : vector<8x4096xf32>, i32 -> vector<8x4096xf32>
      %swap3A_93 = arith.constant 64 : index
      %swap3A_94 = arith.constant 0 : index
      %swap3A_95 = vector.load %arg5[%swap3A_93, %swap3A_94] : memref<512x4096xf32, #tpu.memory_space<vmem>>, vector<8x4096xf32>
      tpu.vector_store %arg5[%swap3A_93, %swap3A_94], %roll3A_92 {strides = array<i32>} : memref<512x4096xf32, #tpu.memory_space<vmem>>, vector<8x4096xf32>,
      %roll3A_96 = arith.constant 3664 : i32
      %roll3A_97 = tpu.dynamic_rotate %select_n3A_51 by %roll3A_96 dim 1 : vector<8x4096xf32>, i32 -> vector<8x4096xf32>
      %swap3A_98 = arith.constant 72 : index
      %swap3A_99 = arith.constant 0 : index
      %swap3A_100 = vector.load %arg5[%swap3A_98, %swap3A_99] : memref<512x4096xf32, #tpu.memory_space<vmem>>, vector<8x4096xf32>
      tpu.vector_store %arg5[%swap3A_98, %swap3A_99], %roll3A_97 {strides = array<i32>} : memref<512x4096xf32, #tpu.memory_space<vmem>>, vector<8x4096xf32>,
      %roll3A_101 = arith.constant 3672 : i32
      %roll3A_102 = tpu.dynamic_rotate %select_n3A_51 by %roll3A_101 dim 1 : vector<8x4096xf32>, i32 -> vector<8x4096xf32>
      %swap3A_103 = arith.constant 80 : index
      %swap3A_104 = arith.constant 0 : index
      %swap3A_105 = vector.load %arg5[%swap3A_103, %swap3A_104] : memref<512x4096xf32, #tpu.memory_space<vmem>>, vector<8x4096xf32>
      tpu.vector_store %arg5[%swap3A_103, %swap3A_104], %roll3A_102 {strides = array<i32>} : memref<512x4096xf32, #tpu.memory_space<vmem>>, vector<8x4096xf32>,
      %roll3A_106 = arith.constant 3680 : i32
      %roll3A_107 = tpu.dynamic_rotate %select_n3A_51 by %roll3A_106 dim 1 : vector<8x4096xf32>, i32 -> vector<8x4096xf32>
      %swap3A_108 = arith.constant 88 : index
      %swap3A_109 = arith.constant 0 : index
      %swap3A_110 = vector.load %arg5[%swap3A_108, %swap3A_109] : memref<512x4096xf32, #tpu.memory_space<vmem>>, vector<8x4096xf32>
      tpu.vector_store %arg5[%swap3A_108, %swap3A_109], %roll3A_107 {strides = array<i32>} : memref<512x4096xf32, #tpu.memory_space<vmem>>, vector<8x4096xf32>,
      %roll3A_111 = arith.constant 3688 : i32
      %roll3A_112 = tpu.dynamic_rotate %select_n3A_51 by %roll3A_111 dim 1 : vector<8x4096xf32>, i32 -> vector<8x4096xf32>
      %swap3A_113 = arith.constant 96 : index
      %swap3A_114 = arith.constant 0 : index
      %swap3A_115 = vector.load %arg5[%swap3A_113, %swap3A_114] : memref<512x4096xf32, #tpu.memory_space<vmem>>, vector<8x4096xf32>
      tpu.vector_store %arg5[%swap3A_113, %swap3A_114], %roll3A_112 {strides = array<i32>} : memref<512x4096xf32, #tpu.memory_space<vmem>>, vector<8x4096xf32>,
      %roll3A_116 = arith.constant 3696 : i32
      %roll3A_117 = tpu.dynamic_rotate %select_n3A_51 by %roll3A_116 dim 1 : vector<8x4096xf32>, i32 -> vector<8x4096xf32>
      %swap3A_118 = arith.constant 104 : index
      %swap3A_119 = arith.constant 0 : index
      %swap3A_120 = vector.load %arg5[%swap3A_118, %swap3A_119] : memref<512x4096xf32, #tpu.memory_space<vmem>>, vector<8x4096xf32>
      tpu.vector_store %arg5[%swap3A_118, %swap3A_119], %roll3A_117 {strides = array<i32>} : memref<512x4096xf32, #tpu.memory_space<vmem>>, vector<8x4096xf32>,
      %roll3A_121 = arith.constant 3704 : i32
      %roll3A_122 = tpu.dynamic_rotate %select_n3A_51 by %roll3A_121 dim 1 : vector<8x4096xf32>, i32 -> vector<8x4096xf32>
      %swap3A_123 = arith.constant 112 : index
      %swap3A_124 = arith.constant 0 : index
      %swap3A_125 = vector.load %arg5[%swap3A_123, %swap3A_124] : memref<512x4096xf32, #tpu.memory_space<vmem>>, vector<8x4096xf32>
      tpu.vector_store %arg5[%swap3A_123, %swap3A_124], %roll3A_122 {strides = array<i32>} : memref<512x4096xf32, #tpu.memory_space<vmem>>, vector<8x4096xf32>,
      %roll3A_126 = arith.constant 3712 : i32
      %roll3A_127 = tpu.dynamic_rotate %select_n3A_51 by %roll3A_126 dim 1 : vector<8x4096xf32>, i32 -> vector<8x4096xf32>
      %swap3A_128 = arith.constant 120 : index
      %swap3A_129 = arith.constant 0 : index
      %swap3A_130 = vector.load %arg5[%swap3A_128, %swap3A_129] : memref<512x4096xf32, #tpu.memory_space<vmem>>, vector<8x4096xf32>
      tpu.vector_store %arg5[%swap3A_128, %swap3A_129], %roll3A_127 {strides = array<i32>} : memref<512x4096xf32, #tpu.memory_space<vmem>>, vector<8x4096xf32>,
      %roll3A_131 = arith.constant 3720 : i32
      %roll3A_132 = tpu.dynamic_rotate %select_n3A_51 by %roll3A_131 dim 1 : vector<8x4096xf32>, i32 -> vector<8x4096xf32>
      %swap3A_133 = arith.constant 128 : index
      %swap3A_134 = arith.constant 0 : index
      %swap3A_135 = vector.load %arg5[%swap3A_133, %swap3A_134] : memref<512x4096xf32, #tpu.memory_space<vmem>>, vector<8x4096xf32>
      tpu.vector_store %arg5[%swap3A_133, %swap3A_134], %roll3A_132 {strides = array<i32>} : memref<512x4096xf32, #tpu.memory_space<vmem>>, vector<8x4096xf32>,
      %roll3A_136 = arith.constant 3728 : i32
      %roll3A_137 = tpu.dynamic_rotate %select_n3A_51 by %roll3A_136 dim 1 : vector<8x4096xf32>, i32 -> vector<8x4096xf32>
      %swap3A_138 = arith.constant 136 : index
      %swap3A_139 = arith.constant 0 : index
      %swap3A_140 = vector.load %arg5[%swap3A_138, %swap3A_139] : memref<512x4096xf32, #tpu.memory_space<vmem>>, vector<8x4096xf32>
      tpu.vector_store %arg5[%swap3A_138, %swap3A_139], %roll3A_137 {strides = array<i32>} : memref<512x4096xf32, #tpu.memory_space<vmem>>, vector<8x4096xf32>,
      %roll3A_141 = arith.constant 3736 : i32
      %roll3A_142 = tpu.dynamic_rotate %select_n3A_51 by %roll3A_141 dim 1 : vector<8x4096xf32>, i32 -> vector<8x4096xf32>
      %swap3A_143 = arith.constant 144 : index
      %swap3A_144 = arith.constant 0 : index
      %swap3A_145 = vector.load %arg5[%swap3A_143, %swap3A_144] : memref<512x4096xf32, #tpu.memory_space<vmem>>, vector<8x4096xf32>
      tpu.vector_store %arg5[%swap3A_143, %swap3A_144], %roll3A_142 {strides = array<i32>} : memref<512x4096xf32, #tpu.memory_space<vmem>>, vector<8x4096xf32>,
      %roll3A_146 = arith.constant 3744 : i32
      %roll3A_147 = tpu.dynamic_rotate %select_n3A_51 by %roll3A_146 dim 1 : vector<8x4096xf32>, i32 -> vector<8x4096xf32>
      %swap3A_148 = arith.constant 152 : index
      %swap3A_149 = arith.constant 0 : index
      %swap3A_150 = vector.load %arg5[%swap3A_148, %swap3A_149] : memref<512x4096xf32, #tpu.memory_space<vmem>>, vector<8x4096xf32>
      tpu.vector_store %arg5[%swap3A_148, %swap3A_149], %roll3A_147 {strides = array<i32>} : memref<512x4096xf32, #tpu.memory_space<vmem>>, vector<8x4096xf32>,
      %roll3A_151 = arith.constant 3752 : i32
      %roll3A_152 = tpu.dynamic_rotate %select_n3A_51 by %roll3A_151 dim 1 : vector<8x4096xf32>, i32 -> vector<8x4096xf32>
      %swap3A_153 = arith.constant 160 : index
      %swap3A_154 = arith.constant 0 : index
      %swap3A_155 = vector.load %arg5[%swap3A_153, %swap3A_154] : memref<512x4096xf32, #tpu.memory_space<vmem>>, vector<8x4096xf32>
      tpu.vector_store %arg5[%swap3A_153, %swap3A_154], %roll3A_152 {strides = array<i32>} : memref<512x4096xf32, #tpu.memory_space<vmem>>, vector<8x4096xf32>,
      %roll3A_156 = arith.constant 3760 : i32
      %roll3A_157 = tpu.dynamic_rotate %select_n3A_51 by %roll3A_156 dim 1 : vector<8x4096xf32>, i32 -> vector<8x4096xf32>
      %swap3A_158 = arith.constant 168 : index
      %swap3A_159 = arith.constant 0 : index
      %swap3A_160 = vector.load %arg5[%swap3A_158, %swap3A_159] : memref<512x4096xf32, #tpu.memory_space<vmem>>, vector<8x4096xf32>
      tpu.vector_store %arg5[%swap3A_158, %swap3A_159], %roll3A_157 {strides = array<i32>} : memref<512x4096xf32, #tpu.memory_space<vmem>>, vector<8x4096xf32>,
      %roll3A_161 = arith.constant 3768 : i32
      %roll3A_162 = tpu.dynamic_rotate %select_n3A_51 by %roll3A_161 dim 1 : vector<8x4096xf32>, i32 -> vector<8x4096xf32>
      %swap3A_163 = arith.constant 176 : index
      %swap3A_164 = arith.constant 0 : index
      %swap3A_165 = vector.load %arg5[%swap3A_163, %swap3A_164] : memref<512x4096xf32, #tpu.memory_space<vmem>>, vector<8x4096xf32>
      tpu.vector_store %arg5[%swap3A_163, %swap3A_164], %roll3A_162 {strides = array<i32>} : memref<512x4096xf32, #tpu.memory_space<vmem>>, vector<8x4096xf32>,
      %roll3A_166 = arith.constant 3776 : i32
      %roll3A_167 = tpu.dynamic_rotate %select_n3A_51 by %roll3A_166 dim 1 : vector<8x4096xf32>, i32 -> vector<8x4096xf32>
      %swap3A_168 = arith.constant 184 : index
      %swap3A_169 = arith.constant 0 : index
      %swap3A_170 = vector.load %arg5[%swap3A_168, %swap3A_169] : memref<512x4096xf32, #tpu.memory_space<vmem>>, vector<8x4096xf32>
      tpu.vector_store %arg5[%swap3A_168, %swap3A_169], %roll3A_167 {strides = array<i32>} : memref<512x4096xf32, #tpu.memory_space<vmem>>, vector<8x4096xf32>,
      %roll3A_171 = arith.constant 3784 : i32
      %roll3A_172 = tpu.dynamic_rotate %select_n3A_51 by %roll3A_171 dim 1 : vector<8x4096xf32>, i32 -> vector<8x4096xf32>
      %swap3A_173 = arith.constant 192 : index
      %swap3A_174 = arith.constant 0 : index
      %swap3A_175 = vector.load %arg5[%swap3A_173, %swap3A_174] : memref<512x4096xf32, #tpu.memory_space<vmem>>, vector<8x4096xf32>
      tpu.vector_store %arg5[%swap3A_173, %swap3A_174], %roll3A_172 {strides = array<i32>} : memref<512x4096xf32, #tpu.memory_space<vmem>>, vector<8x4096xf32>,
      %roll3A_176 = arith.constant 3792 : i32
      %roll3A_177 = tpu.dynamic_rotate %select_n3A_51 by %roll3A_176 dim 1 : vector<8x4096xf32>, i32 -> vector<8x4096xf32>
      %swap3A_178 = arith.constant 200 : index
      %swap3A_179 = arith.constant 0 : index
      %swap3A_180 = vector.load %arg5[%swap3A_178, %swap3A_179] : memref<512x4096xf32, #tpu.memory_space<vmem>>, vector<8x4096xf32>
      tpu.vector_store %arg5[%swap3A_178, %swap3A_179], %roll3A_177 {strides = array<i32>} : memref<512x4096xf32, #tpu.memory_space<vmem>>, vector<8x4096xf32>,
      %roll3A_181 = arith.constant 3800 : i32
      %roll3A_182 = tpu.dynamic_rotate %select_n3A_51 by %roll3A_181 dim 1 : vector<8x4096xf32>, i32 -> vector<8x4096xf32>
      %swap3A_183 = arith.constant 208 : index
      %swap3A_184 = arith.constant 0 : index
      %swap3A_185 = vector.load %arg5[%swap3A_183, %swap3A_184] : memref<512x4096xf32, #tpu.memory_space<vmem>>, vector<8x4096xf32>
      tpu.vector_store %arg5[%swap3A_183, %swap3A_184], %roll3A_182 {strides = array<i32>} : memref<512x4096xf32, #tpu.memory_space<vmem>>, vector<8x4096xf32>,
      %roll3A_186 = arith.constant 3808 : i32
      %roll3A_187 = tpu.dynamic_rotate %select_n3A_51 by %roll3A_186 dim 1 : vector<8x4096xf32>, i32 -> vector<8x4096xf32>
      %swap3A_188 = arith.constant 216 : index
      %swap3A_189 = arith.constant 0 : index
      %swap3A_190 = vector.load %arg5[%swap3A_188, %swap3A_189] : memref<512x4096xf32, #tpu.memory_space<vmem>>, vector<8x4096xf32>
      tpu.vector_store %arg5[%swap3A_188, %swap3A_189], %roll3A_187 {strides = array<i32>} : memref<512x4096xf32, #tpu.memory_space<vmem>>, vector<8x4096xf32>,
      %roll3A_191 = arith.constant 3816 : i32
      %roll3A_192 = tpu.dynamic_rotate %select_n3A_51 by %roll3A_191 dim 1 : vector<8x4096xf32>, i32 -> vector<8x4096xf32>
      %swap3A_193 = arith.constant 224 : index
      %swap3A_194 = arith.constant 0 : index
      %swap3A_195 = vector.load %arg5[%swap3A_193, %swap3A_194] : memref<512x4096xf32, #tpu.memory_space<vmem>>, vector<8x4096xf32>
      tpu.vector_store %arg5[%swap3A_193, %swap3A_194], %roll3A_192 {strides = array<i32>} : memref<512x4096xf32, #tpu.memory_space<vmem>>, vector<8x4096xf32>,
      %roll3A_196 = arith.constant 3824 : i32
      %roll3A_197 = tpu.dynamic_rotate %select_n3A_51 by %roll3A_196 dim 1 : vector<8x4096xf32>, i32 -> vector<8x4096xf32>
      %swap3A_198 = arith.constant 232 : index
      %swap3A_199 = arith.constant 0 : index
      %swap3A_200 = vector.load %arg5[%swap3A_198, %swap3A_199] : memref<512x4096xf32, #tpu.memory_space<vmem>>, vector<8x4096xf32>
      tpu.vector_store %arg5[%swap3A_198, %swap3A_199], %roll3A_197 {strides = array<i32>} : memref<512x4096xf32, #tpu.memory_space<vmem>>, vector<8x4096xf32>,
      %roll3A_201 = arith.constant 3832 : i32
      %roll3A_202 = tpu.dynamic_rotate %select_n3A_51 by %roll3A_201 dim 1 : vector<8x4096xf32>, i32 -> vector<8x4096xf32>
      %swap3A_203 = arith.constant 240 : index
      %swap3A_204 = arith.constant 0 : index
      %swap3A_205 = vector.load %arg5[%swap3A_203, %swap3A_204] : memref<512x4096xf32, #tpu.memory_space<vmem>>, vector<8x4096xf32>
      tpu.vector_store %arg5[%swap3A_203, %swap3A_204], %roll3A_202 {strides = array<i32>} : memref<512x4096xf32, #tpu.memory_space<vmem>>, vector<8x4096xf32>,
      %roll3A_206 = arith.constant 3840 : i32
      %roll3A_207 = tpu.dynamic_rotate %select_n3A_51 by %roll3A_206 dim 1 : vector<8x4096xf32>, i32 -> vector<8x4096xf32>
      %swap3A_208 = arith.constant 248 : index
      %swap3A_209 = arith.constant 0 : index
      %swap3A_210 = vector.load %arg5[%swap3A_208, %swap3A_209] : memref<512x4096xf32, #tpu.memory_space<vmem>>, vector<8x4096xf32>
      tpu.vector_store %arg5[%swap3A_208, %swap3A_209], %roll3A_207 {strides = array<i32>} : memref<512x4096xf32, #tpu.memory_space<vmem>>, vector<8x4096xf32>,
      %roll3A_211 = arith.constant 3848 : i32
      %roll3A_212 = tpu.dynamic_rotate %select_n3A_51 by %roll3A_211 dim 1 : vector<8x4096xf32>, i32 -> vector<8x4096xf32>
      %swap3A_213 = arith.constant 256 : index
      %swap3A_214 = arith.constant 0 : index
      %swap3A_215 = vector.load %arg5[%swap3A_213, %swap3A_214] : memref<512x4096xf32, #tpu.memory_space<vmem>>, vector<8x4096xf32>
      tpu.vector_store %arg5[%swap3A_213, %swap3A_214], %roll3A_212 {strides = array<i32>} : memref<512x4096xf32, #tpu.memory_space<vmem>>, vector<8x4096xf32>,
      %roll3A_216 = arith.constant 3856 : i32
      %roll3A_217 = tpu.dynamic_rotate %select_n3A_51 by %roll3A_216 dim 1 : vector<8x4096xf32>, i32 -> vector<8x4096xf32>
      %swap3A_218 = arith.constant 264 : index
      %swap3A_219 = arith.constant 0 : index
      %swap3A_220 = vector.load %arg5[%swap3A_218, %swap3A_219] : memref<512x4096xf32, #tpu.memory_space<vmem>>, vector<8x4096xf32>
      tpu.vector_store %arg5[%swap3A_218, %swap3A_219], %roll3A_217 {strides = array<i32>} : memref<512x4096xf32, #tpu.memory_space<vmem>>, vector<8x4096xf32>,
      %roll3A_221 = arith.constant 3864 : i32
      %roll3A_222 = tpu.dynamic_rotate %select_n3A_51 by %roll3A_221 dim 1 : vector<8x4096xf32>, i32 -> vector<8x4096xf32>
      %swap3A_223 = arith.constant 272 : index
      %swap3A_224 = arith.constant 0 : index
      %swap3A_225 = vector.load %arg5[%swap3A_223, %swap3A_224] : memref<512x4096xf32, #tpu.memory_space<vmem>>, vector<8x4096xf32>
      tpu.vector_store %arg5[%swap3A_223, %swap3A_224], %roll3A_222 {strides = array<i32>} : memref<512x4096xf32, #tpu.memory_space<vmem>>, vector<8x4096xf32>,
      %roll3A_226 = arith.constant 3872 : i32
      %roll3A_227 = tpu.dynamic_rotate %select_n3A_51 by %roll3A_226 dim 1 : vector<8x4096xf32>, i32 -> vector<8x4096xf32>
      %swap3A_228 = arith.constant 280 : index
      %swap3A_229 = arith.constant 0 : index
      %swap3A_230 = vector.load %arg5[%swap3A_228, %swap3A_229] : memref<512x4096xf32, #tpu.memory_space<vmem>>, vector<8x4096xf32>
      tpu.vector_store %arg5[%swap3A_228, %swap3A_229], %roll3A_227 {strides = array<i32>} : memref<512x4096xf32, #tpu.memory_space<vmem>>, vector<8x4096xf32>,
      %roll3A_231 = arith.constant 3880 : i32
      %roll3A_232 = tpu.dynamic_rotate %select_n3A_51 by %roll3A_231 dim 1 : vector<8x4096xf32>, i32 -> vector<8x4096xf32>
      %swap3A_233 = arith.constant 288 : index
      %swap3A_234 = arith.constant 0 : index
      %swap3A_235 = vector.load %arg5[%swap3A_233, %swap3A_234] : memref<512x4096xf32, #tpu.memory_space<vmem>>, vector<8x4096xf32>
      tpu.vector_store %arg5[%swap3A_233, %swap3A_234], %roll3A_232 {strides = array<i32>} : memref<512x4096xf32, #tpu.memory_space<vmem>>, vector<8x4096xf32>,
      %roll3A_236 = arith.constant 3888 : i32
      %roll3A_237 = tpu.dynamic_rotate %select_n3A_51 by %roll3A_236 dim 1 : vector<8x4096xf32>, i32 -> vector<8x4096xf32>
      %swap3A_238 = arith.constant 296 : index
      %swap3A_239 = arith.constant 0 : index
      %swap3A_240 = vector.load %arg5[%swap3A_238, %swap3A_239] : memref<512x4096xf32, #tpu.memory_space<vmem>>, vector<8x4096xf32>
      tpu.vector_store %arg5[%swap3A_238, %swap3A_239], %roll3A_237 {strides = array<i32>} : memref<512x4096xf32, #tpu.memory_space<vmem>>, vector<8x4096xf32>,
      %roll3A_241 = arith.constant 3896 : i32
      %roll3A_242 = tpu.dynamic_rotate %select_n3A_51 by %roll3A_241 dim 1 : vector<8x4096xf32>, i32 -> vector<8x4096xf32>
      %swap3A_243 = arith.constant 304 : index
      %swap3A_244 = arith.constant 0 : index
      %swap3A_245 = vector.load %arg5[%swap3A_243, %swap3A_244] : memref<512x4096xf32, #tpu.memory_space<vmem>>, vector<8x4096xf32>
      tpu.vector_store %arg5[%swap3A_243, %swap3A_244], %roll3A_242 {strides = array<i32>} : memref<512x4096xf32, #tpu.memory_space<vmem>>, vector<8x4096xf32>,
      %roll3A_246 = arith.constant 3904 : i32
      %roll3A_247 = tpu.dynamic_rotate %select_n3A_51 by %roll3A_246 dim 1 : vector<8x4096xf32>, i32 -> vector<8x4096xf32>
      %swap3A_248 = arith.constant 312 : index
      %swap3A_249 = arith.constant 0 : index
      %swap3A_250 = vector.load %arg5[%swap3A_248, %swap3A_249] : memref<512x4096xf32, #tpu.memory_space<vmem>>, vector<8x4096xf32>
      tpu.vector_store %arg5[%swap3A_248, %swap3A_249], %roll3A_247 {strides = array<i32>} : memref<512x4096xf32, #tpu.memory_space<vmem>>, vector<8x4096xf32>,
      %roll3A_251 = arith.constant 3912 : i32
      %roll3A_252 = tpu.dynamic_rotate %select_n3A_51 by %roll3A_251 dim 1 : vector<8x4096xf32>, i32 -> vector<8x4096xf32>
      %swap3A_253 = arith.constant 320 : index
      %swap3A_254 = arith.constant 0 : index
      %swap3A_255 = vector.load %arg5[%swap3A_253, %swap3A_254] : memref<512x4096xf32, #tpu.memory_space<vmem>>, vector<8x4096xf32>
      tpu.vector_store %arg5[%swap3A_253, %swap3A_254], %roll3A_252 {strides = array<i32>} : memref<512x4096xf32, #tpu.memory_space<vmem>>, vector<8x4096xf32>,
      %roll3A_256 = arith.constant 3920 : i32
      %roll3A_257 = tpu.dynamic_rotate %select_n3A_51 by %roll3A_256 dim 1 : vector<8x4096xf32>, i32 -> vector<8x4096xf32>
      %swap3A_258 = arith.constant 328 : index
      %swap3A_259 = arith.constant 0 : index
      %swap3A_260 = vector.load %arg5[%swap3A_258, %swap3A_259] : memref<512x4096xf32, #tpu.memory_space<vmem>>, vector<8x4096xf32>
      tpu.vector_store %arg5[%swap3A_258, %swap3A_259], %roll3A_257 {strides = array<i32>} : memref<512x4096xf32, #tpu.memory_space<vmem>>, vector<8x4096xf32>,
      %roll3A_261 = arith.constant 3928 : i32
      %roll3A_262 = tpu.dynamic_rotate %select_n3A_51 by %roll3A_261 dim 1 : vector<8x4096xf32>, i32 -> vector<8x4096xf32>
      %swap3A_263 = arith.constant 336 : index
      %swap3A_264 = arith.constant 0 : index
      %swap3A_265 = vector.load %arg5[%swap3A_263, %swap3A_264] : memref<512x4096xf32, #tpu.memory_space<vmem>>, vector<8x4096xf32>
      tpu.vector_store %arg5[%swap3A_263, %swap3A_264], %roll3A_262 {strides = array<i32>} : memref<512x4096xf32, #tpu.memory_space<vmem>>, vector<8x4096xf32>,
      %roll3A_266 = arith.constant 3936 : i32
      %roll3A_267 = tpu.dynamic_rotate %select_n3A_51 by %roll3A_266 dim 1 : vector<8x4096xf32>, i32 -> vector<8x4096xf32>
      %swap3A_268 = arith.constant 344 : index
      %swap3A_269 = arith.constant 0 : index
      %swap3A_270 = vector.load %arg5[%swap3A_268, %swap3A_269] : memref<512x4096xf32, #tpu.memory_space<vmem>>, vector<8x4096xf32>
      tpu.vector_store %arg5[%swap3A_268, %swap3A_269], %roll3A_267 {strides = array<i32>} : memref<512x4096xf32, #tpu.memory_space<vmem>>, vector<8x4096xf32>,
      %roll3A_271 = arith.constant 3944 : i32
      %roll3A_272 = tpu.dynamic_rotate %select_n3A_51 by %roll3A_271 dim 1 : vector<8x4096xf32>, i32 -> vector<8x4096xf32>
      %swap3A_273 = arith.constant 352 : index
      %swap3A_274 = arith.constant 0 : index
      %swap3A_275 = vector.load %arg5[%swap3A_273, %swap3A_274] : memref<512x4096xf32, #tpu.memory_space<vmem>>, vector<8x4096xf32>
      tpu.vector_store %arg5[%swap3A_273, %swap3A_274], %roll3A_272 {strides = array<i32>} : memref<512x4096xf32, #tpu.memory_space<vmem>>, vector<8x4096xf32>,
      %roll3A_276 = arith.constant 3952 : i32
      %roll3A_277 = tpu.dynamic_rotate %select_n3A_51 by %roll3A_276 dim 1 : vector<8x4096xf32>, i32 -> vector<8x4096xf32>
      %swap3A_278 = arith.constant 360 : index
      %swap3A_279 = arith.constant 0 : index
      %swap3A_280 = vector.load %arg5[%swap3A_278, %swap3A_279] : memref<512x4096xf32, #tpu.memory_space<vmem>>, vector<8x4096xf32>
      tpu.vector_store %arg5[%swap3A_278, %swap3A_279], %roll3A_277 {strides = array<i32>} : memref<512x4096xf32, #tpu.memory_space<vmem>>, vector<8x4096xf32>,
      %roll3A_281 = arith.constant 3960 : i32
      %roll3A_282 = tpu.dynamic_rotate %select_n3A_51 by %roll3A_281 dim 1 : vector<8x4096xf32>, i32 -> vector<8x4096xf32>
      %swap3A_283 = arith.constant 368 : index
      %swap3A_284 = arith.constant 0 : index
      %swap3A_285 = vector.load %arg5[%swap3A_283, %swap3A_284] : memref<512x4096xf32, #tpu.memory_space<vmem>>, vector<8x4096xf32>
      tpu.vector_store %arg5[%swap3A_283, %swap3A_284], %roll3A_282 {strides = array<i32>} : memref<512x4096xf32, #tpu.memory_space<vmem>>, vector<8x4096xf32>,
      %roll3A_286 = arith.constant 3968 : i32
      %roll3A_287 = tpu.dynamic_rotate %select_n3A_51 by %roll3A_286 dim 1 : vector<8x4096xf32>, i32 -> vector<8x4096xf32>
      %swap3A_288 = arith.constant 376 : index
      %swap3A_289 = arith.constant 0 : index
      %swap3A_290 = vector.load %arg5[%swap3A_288, %swap3A_289] : memref<512x4096xf32, #tpu.memory_space<vmem>>, vector<8x4096xf32>
      tpu.vector_store %arg5[%swap3A_288, %swap3A_289], %roll3A_287 {strides = array<i32>} : memref<512x4096xf32, #tpu.memory_space<vmem>>, vector<8x4096xf32>,
      %roll3A_291 = arith.constant 3976 : i32
      %roll3A_292 = tpu.dynamic_rotate %select_n3A_51 by %roll3A_291 dim 1 : vector<8x4096xf32>, i32 -> vector<8x4096xf32>
      %swap3A_293 = arith.constant 384 : index
      %swap3A_294 = arith.constant 0 : index
      %swap3A_295 = vector.load %arg5[%swap3A_293, %swap3A_294] : memref<512x4096xf32, #tpu.memory_space<vmem>>, vector<8x4096xf32>
      tpu.vector_store %arg5[%swap3A_293, %swap3A_294], %roll3A_292 {strides = array<i32>} : memref<512x4096xf32, #tpu.memory_space<vmem>>, vector<8x4096xf32>,
      %roll3A_296 = arith.constant 3984 : i32
      %roll3A_297 = tpu.dynamic_rotate %select_n3A_51 by %roll3A_296 dim 1 : vector<8x4096xf32>, i32 -> vector<8x4096xf32>
      %swap3A_298 = arith.constant 392 : index
      %swap3A_299 = arith.constant 0 : index
      %swap3A_300 = vector.load %arg5[%swap3A_298, %swap3A_299] : memref<512x4096xf32, #tpu.memory_space<vmem>>, vector<8x4096xf32>
      tpu.vector_store %arg5[%swap3A_298, %swap3A_299], %roll3A_297 {strides = array<i32>} : memref<512x4096xf32, #tpu.memory_space<vmem>>, vector<8x4096xf32>,
      %roll3A_301 = arith.constant 3992 : i32
      %roll3A_302 = tpu.dynamic_rotate %select_n3A_51 by %roll3A_301 dim 1 : vector<8x4096xf32>, i32 -> vector<8x4096xf32>
      %swap3A_303 = arith.constant 400 : index
      %swap3A_304 = arith.constant 0 : index
      %swap3A_305 = vector.load %arg5[%swap3A_303, %swap3A_304] : memref<512x4096xf32, #tpu.memory_space<vmem>>, vector<8x4096xf32>
      tpu.vector_store %arg5[%swap3A_303, %swap3A_304], %roll3A_302 {strides = array<i32>} : memref<512x4096xf32, #tpu.memory_space<vmem>>, vector<8x4096xf32>,
      %roll3A_306 = arith.constant 4000 : i32
      %roll3A_307 = tpu.dynamic_rotate %select_n3A_51 by %roll3A_306 dim 1 : vector<8x4096xf32>, i32 -> vector<8x4096xf32>
      %swap3A_308 = arith.constant 408 : index
      %swap3A_309 = arith.constant 0 : index
      %swap3A_310 = vector.load %arg5[%swap3A_308, %swap3A_309] : memref<512x4096xf32, #tpu.memory_space<vmem>>, vector<8x4096xf32>
      tpu.vector_store %arg5[%swap3A_308, %swap3A_309], %roll3A_307 {strides = array<i32>} : memref<512x4096xf32, #tpu.memory_space<vmem>>, vector<8x4096xf32>,
      %roll3A_311 = arith.constant 4008 : i32
      %roll3A_312 = tpu.dynamic_rotate %select_n3A_51 by %roll3A_311 dim 1 : vector<8x4096xf32>, i32 -> vector<8x4096xf32>
      %swap3A_313 = arith.constant 416 : index
      %swap3A_314 = arith.constant 0 : index
      %swap3A_315 = vector.load %arg5[%swap3A_313, %swap3A_314] : memref<512x4096xf32, #tpu.memory_space<vmem>>, vector<8x4096xf32>
      tpu.vector_store %arg5[%swap3A_313, %swap3A_314], %roll3A_312 {strides = array<i32>} : memref<512x4096xf32, #tpu.memory_space<vmem>>, vector<8x4096xf32>,
      %roll3A_316 = arith.constant 4016 : i32
      %roll3A_317 = tpu.dynamic_rotate %select_n3A_51 by %roll3A_316 dim 1 : vector<8x4096xf32>, i32 -> vector<8x4096xf32>
      %swap3A_318 = arith.constant 424 : index
      %swap3A_319 = arith.constant 0 : index
      %swap3A_320 = vector.load %arg5[%swap3A_318, %swap3A_319] : memref<512x4096xf32, #tpu.memory_space<vmem>>, vector<8x4096xf32>
      tpu.vector_store %arg5[%swap3A_318, %swap3A_319], %roll3A_317 {strides = array<i32>} : memref<512x4096xf32, #tpu.memory_space<vmem>>, vector<8x4096xf32>,
      %roll3A_321 = arith.constant 4024 : i32
      %roll3A_322 = tpu.dynamic_rotate %select_n3A_51 by %roll3A_321 dim 1 : vector<8x4096xf32>, i32 -> vector<8x4096xf32>
      %swap3A_323 = arith.constant 432 : index
      %swap3A_324 = arith.constant 0 : index
      %swap3A_325 = vector.load %arg5[%swap3A_323, %swap3A_324] : memref<512x4096xf32, #tpu.memory_space<vmem>>, vector<8x4096xf32>
      tpu.vector_store %arg5[%swap3A_323, %swap3A_324], %roll3A_322 {strides = array<i32>} : memref<512x4096xf32, #tpu.memory_space<vmem>>, vector<8x4096xf32>,
      %roll3A_326 = arith.constant 4032 : i32
      %roll3A_327 = tpu.dynamic_rotate %select_n3A_51 by %roll3A_326 dim 1 : vector<8x4096xf32>, i32 -> vector<8x4096xf32>
      %swap3A_328 = arith.constant 440 : index
      %swap3A_329 = arith.constant 0 : index
      %swap3A_330 = vector.load %arg5[%swap3A_328, %swap3A_329] : memref<512x4096xf32, #tpu.memory_space<vmem>>, vector<8x4096xf32>
      tpu.vector_store %arg5[%swap3A_328, %swap3A_329], %roll3A_327 {strides = array<i32>} : memref<512x4096xf32, #tpu.memory_space<vmem>>, vector<8x4096xf32>,
      %roll3A_331 = arith.constant 4040 : i32
      %roll3A_332 = tpu.dynamic_rotate %select_n3A_51 by %roll3A_331 dim 1 : vector<8x4096xf32>, i32 -> vector<8x4096xf32>
      %swap3A_333 = arith.constant 448 : index
      %swap3A_334 = arith.constant 0 : index
      %swap3A_335 = vector.load %arg5[%swap3A_333, %swap3A_334] : memref<512x4096xf32, #tpu.memory_space<vmem>>, vector<8x4096xf32>
      tpu.vector_store %arg5[%swap3A_333, %swap3A_334], %roll3A_332 {strides = array<i32>} : memref<512x4096xf32, #tpu.memory_space<vmem>>, vector<8x4096xf32>,
      %roll3A_336 = arith.constant 4048 : i32
      %roll3A_337 = tpu.dynamic_rotate %select_n3A_51 by %roll3A_336 dim 1 : vector<8x4096xf32>, i32 -> vector<8x4096xf32>
      %swap3A_338 = arith.constant 456 : index
      %swap3A_339 = arith.constant 0 : index
      %swap3A_340 = vector.load %arg5[%swap3A_338, %swap3A_339] : memref<512x4096xf32, #tpu.memory_space<vmem>>, vector<8x4096xf32>
      tpu.vector_store %arg5[%swap3A_338, %swap3A_339], %roll3A_337 {strides = array<i32>} : memref<512x4096xf32, #tpu.memory_space<vmem>>, vector<8x4096xf32>,
      %roll3A_341 = arith.constant 4056 : i32
      %roll3A_342 = tpu.dynamic_rotate %select_n3A_51 by %roll3A_341 dim 1 : vector<8x4096xf32>, i32 -> vector<8x4096xf32>
      %swap3A_343 = arith.constant 464 : index
      %swap3A_344 = arith.constant 0 : index
      %swap3A_345 = vector.load %arg5[%swap3A_343, %swap3A_344] : memref<512x4096xf32, #tpu.memory_space<vmem>>, vector<8x4096xf32>
      tpu.vector_store %arg5[%swap3A_343, %swap3A_344], %roll3A_342 {strides = array<i32>} : memref<512x4096xf32, #tpu.memory_space<vmem>>, vector<8x4096xf32>,
      %roll3A_346 = arith.constant 4064 : i32
      %roll3A_347 = tpu.dynamic_rotate %select_n3A_51 by %roll3A_346 dim 1 : vector<8x4096xf32>, i32 -> vector<8x4096xf32>
      %swap3A_348 = arith.constant 472 : index
      %swap3A_349 = arith.constant 0 : index
      %swap3A_350 = vector.load %arg5[%swap3A_348, %swap3A_349] : memref<512x4096xf32, #tpu.memory_space<vmem>>, vector<8x4096xf32>
      tpu.vector_store %arg5[%swap3A_348, %swap3A_349], %roll3A_347 {strides = array<i32>} : memref<512x4096xf32, #tpu.memory_space<vmem>>, vector<8x4096xf32>,
      %roll3A_351 = arith.constant 4072 : i32
      %roll3A_352 = tpu.dynamic_rotate %select_n3A_51 by %roll3A_351 dim 1 : vector<8x4096xf32>, i32 -> vector<8x4096xf32>
      %swap3A_353 = arith.constant 480 : index
      %swap3A_354 = arith.constant 0 : index
      %swap3A_355 = vector.load %arg5[%swap3A_353, %swap3A_354] : memref<512x4096xf32, #tpu.memory_space<vmem>>, vector<8x4096xf32>
      tpu.vector_store %arg5[%swap3A_353, %swap3A_354], %roll3A_352 {strides = array<i32>} : memref<512x4096xf32, #tpu.memory_space<vmem>>, vector<8x4096xf32>,
      %roll3A_356 = arith.constant 4080 : i32
      %roll3A_357 = tpu.dynamic_rotate %select_n3A_51 by %roll3A_356 dim 1 : vector<8x4096xf32>, i32 -> vector<8x4096xf32>
      %swap3A_358 = arith.constant 488 : index
      %swap3A_359 = arith.constant 0 : index
      %swap3A_360 = vector.load %arg5[%swap3A_358, %swap3A_359] : memref<512x4096xf32, #tpu.memory_space<vmem>>, vector<8x4096xf32>
      tpu.vector_store %arg5[%swap3A_358, %swap3A_359], %roll3A_357 {strides = array<i32>} : memref<512x4096xf32, #tpu.memory_space<vmem>>, vector<8x4096xf32>,
      %roll3A_361 = arith.constant 4088 : i32
      %roll3A_362 = tpu.dynamic_rotate %select_n3A_51 by %roll3A_361 dim 1 : vector<8x4096xf32>, i32 -> vector<8x4096xf32>
      %swap3A_363 = arith.constant 496 : index
      %swap3A_364 = arith.constant 0 : index
      %swap3A_365 = vector.load %arg5[%swap3A_363, %swap3A_364] : memref<512x4096xf32, #tpu.memory_space<vmem>>, vector<8x4096xf32>
      tpu.vector_store %arg5[%swap3A_363, %swap3A_364], %roll3A_362 {strides = array<i32>} : memref<512x4096xf32, #tpu.memory_space<vmem>>, vector<8x4096xf32>,
      %swap3A_366 = arith.constant 504 : index
      %swap3A_367 = arith.constant 0 : index
      %swap3A_368 = vector.load %arg5[%swap3A_366, %swap3A_367] : memref<512x4096xf32, #tpu.memory_space<vmem>>, vector<8x4096xf32>
      tpu.vector_store %arg5[%swap3A_366, %swap3A_367], %select_n3A_51 {strides = array<i32>} : memref<512x4096xf32, #tpu.memory_space<vmem>>, vector<8x4096xf32>,
    } else {
    }
    %eq3A_2 = arith.constant 0 : i32
    %eq3A_3 = arith.cmpi eq, %arg1, %eq3A_2 : i32
    %convert_element_type3A_4 = arith.extui %eq3A_3 : i1 to i32
    %cond3A_5 = arith.constant 0 : i32
    %cond3A_6 = arith.cmpi ne, %convert_element_type3A_4, %cond3A_5 : i32
    scf.if %cond3A_6 {
      %get3A = arith.constant 0 : index
      %get3A_22 = arith.constant 0 : index
      %get3A_23 = arith.constant 0 : index
      %get3A_24 = arith.constant 0 : index
      %get3A_25 = vector.load %arg3[%get3A, %get3A_22, %get3A_23, %get3A_24] : memref<1x1x512x2048xf32, #tpu.memory_space<vmem>>, vector<1x1x512x2048xf32>
      %get3A_26 = vector.shape_cast %get3A_25 : vector<1x1x512x2048xf32> to vector<512x2048xf32>
      %get3A_27 = arith.constant 0 : index
      %get3A_28 = arith.constant 1536 : index
      %get3A_29 = vector.load %arg5[%get3A_27, %get3A_28] : memref<512x4096xf32, #tpu.memory_space<vmem>>, vector<512x2048xf32>
      %add3A = arith.addf %get3A_26, %get3A_29 : vector<512x2048xf32>
      %swap3A = arith.constant 0 : index
      %swap3A_30 = arith.constant 0 : index
      %swap3A_31 = arith.constant 0 : index
      %swap3A_32 = arith.constant 0 : index
      %swap3A_33 = vector.load %arg4[%swap3A, %swap3A_30, %swap3A_31, %swap3A_32] : memref<1x1x512x2048xf32, #tpu.memory_space<vmem>>, vector<1x1x512x2048xf32>
      %swap3A_34 = vector.shape_cast %swap3A_33 : vector<1x1x512x2048xf32> to vector<512x2048xf32>
      %swap3A_35 = vector.shape_cast %add3A : vector<512x2048xf32> to vector<1x1x512x2048xf32>
      tpu.vector_store %arg4[%swap3A, %swap3A_30, %swap3A_31, %swap3A_32], %swap3A_35 {strides = array<i32>} : memref<1x1x512x2048xf32, #tpu.memory_space<vmem>>, vector<1x1x512x2048xf32>,
    } else {
    }
    %eq3A_7 = arith.constant 1 : i32
    %eq3A_8 = arith.cmpi eq, %arg1, %eq3A_7 : i32
    %convert_element_type3A_9 = arith.extui %eq3A_8 : i1 to i32
    %cond3A_10 = arith.constant 0 : i32
    %cond3A_11 = arith.cmpi ne, %convert_element_type3A_9, %cond3A_10 : i32
    scf.if %cond3A_11 {
      %get3A = arith.constant 0 : index
      %get3A_22 = arith.constant 0 : index
      %get3A_23 = arith.constant 0 : index
      %get3A_24 = arith.constant 0 : index
      %get3A_25 = vector.load %arg3[%get3A, %get3A_22, %get3A_23, %get3A_24] : memref<1x1x512x2048xf32, #tpu.memory_space<vmem>>, vector<1x1x512x2048xf32>
      %get3A_26 = vector.shape_cast %get3A_25 : vector<1x1x512x2048xf32> to vector<512x2048xf32>
      %get3A_27 = arith.constant 0 : index
      %get3A_28 = arith.constant 1024 : index
      %get3A_29 = vector.load %arg5[%get3A_27, %get3A_28] : memref<512x4096xf32, #tpu.memory_space<vmem>>, vector<512x2048xf32>
      %add3A = arith.addf %get3A_26, %get3A_29 : vector<512x2048xf32>
      %swap3A = arith.constant 0 : index
      %swap3A_30 = arith.constant 0 : index
      %swap3A_31 = arith.constant 0 : index
      %swap3A_32 = arith.constant 0 : index
      %swap3A_33 = vector.load %arg4[%swap3A, %swap3A_30, %swap3A_31, %swap3A_32] : memref<1x1x512x2048xf32, #tpu.memory_space<vmem>>, vector<1x1x512x2048xf32>
      %swap3A_34 = vector.shape_cast %swap3A_33 : vector<1x1x512x2048xf32> to vector<512x2048xf32>
      %swap3A_35 = vector.shape_cast %add3A : vector<512x2048xf32> to vector<1x1x512x2048xf32>
      tpu.vector_store %arg4[%swap3A, %swap3A_30, %swap3A_31, %swap3A_32], %swap3A_35 {strides = array<i32>} : memref<1x1x512x2048xf32, #tpu.memory_space<vmem>>, vector<1x1x512x2048xf32>,
    } else {
    }
    %eq3A_12 = arith.constant 2 : i32
    %eq3A_13 = arith.cmpi eq, %arg1, %eq3A_12 : i32
    %convert_element_type3A_14 = arith.extui %eq3A_13 : i1 to i32
    %cond3A_15 = arith.constant 0 : i32
    %cond3A_16 = arith.cmpi ne, %convert_element_type3A_14, %cond3A_15 : i32
    scf.if %cond3A_16 {
      %get3A = arith.constant 0 : index
      %get3A_22 = arith.constant 0 : index
      %get3A_23 = arith.constant 0 : index
      %get3A_24 = arith.constant 0 : index
      %get3A_25 = vector.load %arg3[%get3A, %get3A_22, %get3A_23, %get3A_24] : memref<1x1x512x2048xf32, #tpu.memory_space<vmem>>, vector<1x1x512x2048xf32>
      %get3A_26 = vector.shape_cast %get3A_25 : vector<1x1x512x2048xf32> to vector<512x2048xf32>
      %get3A_27 = arith.constant 0 : index
      %get3A_28 = arith.constant 512 : index
      %get3A_29 = vector.load %arg5[%get3A_27, %get3A_28] : memref<512x4096xf32, #tpu.memory_space<vmem>>, vector<512x2048xf32>
      %add3A = arith.addf %get3A_26, %get3A_29 : vector<512x2048xf32>
      %swap3A = arith.constant 0 : index
      %swap3A_30 = arith.constant 0 : index
      %swap3A_31 = arith.constant 0 : index
      %swap3A_32 = arith.constant 0 : index
      %swap3A_33 = vector.load %arg4[%swap3A, %swap3A_30, %swap3A_31, %swap3A_32] : memref<1x1x512x2048xf32, #tpu.memory_space<vmem>>, vector<1x1x512x2048xf32>
      %swap3A_34 = vector.shape_cast %swap3A_33 : vector<1x1x512x2048xf32> to vector<512x2048xf32>
      %swap3A_35 = vector.shape_cast %add3A : vector<512x2048xf32> to vector<1x1x512x2048xf32>
      tpu.vector_store %arg4[%swap3A, %swap3A_30, %swap3A_31, %swap3A_32], %swap3A_35 {strides = array<i32>} : memref<1x1x512x2048xf32, #tpu.memory_space<vmem>>, vector<1x1x512x2048xf32>,
    } else {
    }
    %eq3A_17 = arith.constant 3 : i32
    %eq3A_18 = arith.cmpi eq, %arg1, %eq3A_17 : i32
    %convert_element_type3A_19 = arith.extui %eq3A_18 : i1 to i32
    %cond3A_20 = arith.constant 0 : i32
    %cond3A_21 = arith.cmpi ne, %convert_element_type3A_19, %cond3A_20 : i32
    scf.if %cond3A_21 {
      %get3A = arith.constant 0 : index
      %get3A_22 = arith.constant 0 : index
      %get3A_23 = arith.constant 0 : index
      %get3A_24 = arith.constant 0 : index
      %get3A_25 = vector.load %arg3[%get3A, %get3A_22, %get3A_23, %get3A_24] : memref<1x1x512x2048xf32, #tpu.memory_space<vmem>>, vector<1x1x512x2048xf32>
      %get3A_26 = vector.shape_cast %get3A_25 : vector<1x1x512x2048xf32> to vector<512x2048xf32>
      %get3A_27 = arith.constant 0 : index
      %get3A_28 = arith.constant 0 : index
      %get3A_29 = vector.load %arg5[%get3A_27, %get3A_28] : memref<512x4096xf32, #tpu.memory_space<vmem>>, vector<512x2048xf32>
      %add3A = arith.addf %get3A_26, %get3A_29 : vector<512x2048xf32>
      %swap3A = arith.constant 0 : index
      %swap3A_30 = arith.constant 0 : index
      %swap3A_31 = arith.constant 0 : index
      %swap3A_32 = arith.constant 0 : index
      %swap3A_33 = vector.load %arg4[%swap3A, %swap3A_30, %swap3A_31, %swap3A_32] : memref<1x1x512x2048xf32, #tpu.memory_space<vmem>>, vector<1x1x512x2048xf32>
      %swap3A_34 = vector.shape_cast %swap3A_33 : vector<1x1x512x2048xf32> to vector<512x2048xf32>
      %swap3A_35 = vector.shape_cast %add3A : vector<512x2048xf32> to vector<1x1x512x2048xf32>
      tpu.vector_store %arg4[%swap3A, %swap3A_30, %swap3A_31, %swap3A_32], %swap3A_35 {strides = array<i32>} : memref<1x1x512x2048xf32, #tpu.memory_space<vmem>>, vector<1x1x512x2048xf32>,
    } else {
    }
    return
  }
  func.func @transform_0(%arg0: i32, %arg1: i32) -> (i32, i32, i32) {
    %c0_i32 = arith.constant 0 : i32
    %c0_i32_0 = arith.constant 0 : i32
    %c0_i32_1 = arith.constant 0 : i32
    return %arg0, %c0_i32, %c0_i32_0 : i32, i32, i32
  }
  func.func @transform_1(%arg0: i32, %arg1: i32) -> (i32, i32, i32, i32) {
    %c0_i32 = arith.constant 0 : i32
    %c0_i32_0 = arith.constant 0 : i32
    %c0_i32_1 = arith.constant 0 : i32
    return %c0_i32, %arg0, %arg1, %c0_i32_0 : i32, i32, i32, i32
  }
  func.func @transform_2(%arg0: i32, %arg1: i32) -> (i32, i32, i32, i32) {
    %c0_i32 = arith.constant 0 : i32
    %c0_i32_0 = arith.constant 0 : i32
    %c0_i32_1 = arith.constant 0 : i32
    return %c0_i32, %arg0, %arg1, %c0_i32_0 : i32, i32, i32, i32
  }
}

</mosaic_0001>

<sc_bundles>
// kernel: kernel.4.cloned.1.call-start
scs
__scs_entry_jumppad:
0x0: {  	(pc) =	sbr.rel $0x88, $3  }
0x1: {  	(tag) =	ssettag $0x0;
	lr =	simm.s32 $0x1  }
0x2: {  	[smem:$0x3F9F] =	sst lr;
	_ =	strace $0xD0000000  }
0x3: {  	_ = 	snop  }
0x4: {  	_ = 	snop  }
0x5: {  	_ = 	snop  }
0x6: {  	_ = 	snop  }
0x7: {  	_ = 	snop  }
__scs_overlays_trampoline_lowered:
0x8: {  	[smem:$0x3FAE] =	sst s0  }
0x9: {  	[smem:$0x3FAF] =	sst s1  }
0xa: {  	[smem:$0x3FB0] =	sst s2  }
0xb: {  	[smem:$0x3FB1] =	sst s3  }
0xc: {  	[smem:$0x3FB2] =	sst s4  }
0xd: {  	[smem:$0x3FB3] =	sst s5  }
0xe: {  	[smem:$0x3FB4] =	sst s6  }
0xf: {  	[smem:$0x3FB5] =	sst s7  }
0x10: {  	[smem:$0x3FB6] =	sst s8  }
0x11: {  	[smem:$0x3FB7] =	sst s9;
	s0 =	simm.s32 @!p0 $0x0  }
0x12: {  	s1 =	sld [smem:$0x3F9D];
	s0 =	simm.s32 @p0 $0x1  }
0x13: {  	[smem:$0x3FB8] =	sst s0;
	s0 =	simm.s32 @!p1 $0x0  }
0x14: {  	s2 =	sld [smem:$0x3F9C];
	s0 =	simm.s32 @p1 $0x1  }
0x15: {  	[smem:$0x3FB9] =	sst s0;
	s0 =	simm.s32 @!p2 $0x0  }
0x16: {  	s3 =	sld [smem:$0x3FDB];
	s0 =	simm.s32 @p2 $0x1  }
0x17: {  	s4 =	simm.s32 $0x1BF5;
	[smem:$0x3FBB] =	sst s0  }
0x18: {  	s0 =	sld [smem:$0x3F9E];
	_ =	swait.ge [sflag:s4], $0x0  }
0x19: {  	s7 =	sld [smem:$0x3F9F]  }
0x1a: {  	s8 =	sadd.s32 $0xFFFFE003, lr  }
0x1b: {  	s9 =	sadd.s32 $0xFFFFFEF7, lr;
	s5 =	simm.s32 $0xFFFFFFFF;
	p2 =	slt.u32 s8, $0xFFFFF086  }
0x1c: {  	p1 =	slt.u32 s9, $0xF7A;
	s5 =	simm.s32 @!p2 $0x0  }
0x1d: {  	s5 =	simm.s32 @p1 $0x1;
	p0 =	seq.s32 s7, s2  }
0x1e: {  	s7 =	smul.u32 @!p0 $0xF7A, s2;
	p2 =	seq.s32 @!p0 s5, $0x0  }
0x1f: {  	s9 =	smul.u32 $0xF7A, s1;
	s8 =	simm.s32 @!p0 $0x1BF5;
	p2 =	por !p2, p0  }
0x20: {  	[sflag:s8] =	ssyncset.s32 @!p0 $0xFFFFF086;
	s6 =	sadd.s32 @!p0 s3, s7;
	s7 =	simm.s32 @!p0 $0x108  }
0x21: {  	s3 =	sadd.s32 s3, s9;
	s6 =	sadd.s32 @!p0 $0x88, s6;
	s7 =	simm.s32 @p2 $0x1082  }
0x22: {  	[simem:s7], [sflag:s8] =	dma.local @!p0 [hbm:s6], $0xF7A  }
0x23: {  	s9 =	sor.u32 $0xD0000000, s2;
	s6 =	simm.s32 $0x108;
	_ =	swait.ge @!p0 [sflag:s8], $0x0  }
0x24: {  	s3 =	sadd.s32 $0x88, s3;
	s6 =	simm.s32 @!p1 $0x1082;
	[sflag:s4] =	ssyncset.s32 $0xFFFFF086  }
0x25: {  	[simem:s6], [sflag:s4] =	dma.local [hbm:s3], $0xF7A  }
0x26: {  	[smem:$0x3F9F] =	sst s1;
	(tag) =	ssettag s2;
	_ =	strace s9  }
0x27: {  	s1 =	sld [smem:$0x3FAF]  }
0x28: {  	s2 =	sld [smem:$0x3FB0]  }
0x29: {  	s4 =	sld [smem:$0x3FB2]  }
0x2a: {  	p0 =	seq.s32 s5, $0x0;
	s5 =	sld [smem:$0x3FB3]  }
0x2b: {  	s6 =	sld [smem:$0x3FB4]  }
0x2c: {  	s7 =	sld [smem:$0x3FB5]  }
0x2d: {  	s3 =	simm.s32 $0x108;
	s8 =	sld [smem:$0x3FB6]  }
0x2e: {  	s3 =	simm.s32 @!p0 $0x1082;
	s9 =	sld [smem:$0x3FB7]  }
0x2f: {  	lr =	sadd.s32 s0, s3;
	s0 =	sld [smem:$0x3FAE]  }
0x30: {  	s3 =	sld [smem:$0x3FB1]  }
0x31: {  	[smem:$0x3FBA] =	sst s10  }
0x32: {  	s10 =	sld [smem:$0x3FB8];
	_ =	sdelay $0x3  }
0x33: {  	p0 =	seq.s32 s10, $0x1;
	s10 =	sld [smem:$0x3FBA];
	_ =	sdelay $0x3  }
0x34: {  	[smem:$0x3FBA] =	sst s10  }
0x35: {  	s10 =	sld [smem:$0x3FB9];
	_ =	sdelay $0x3  }
0x36: {  	p1 =	seq.s32 s10, $0x1;
	s10 =	sld [smem:$0x3FBA];
	_ =	sdelay $0x3  }
0x37: {  	[smem:$0x3FBA] =	sst s10  }
0x38: {  	s10 =	sld [smem:$0x3FBB]  }
0x39: {  	_ = 	snop;
	(pc) =	sbr.ind lr, $3  }
0x3a: {  	_ = 	snop  }
0x3b: {  	_ = 	snop  }
0x3c: {  	p2 =	seq.s32 s10, $0x1;
	s10 =	sld [smem:$0x3FBA]  }
0x3d: {  	_ =	shalt  }
0x3e: {  	_ =	shalt  }
0x3f: {  	_ =	shalt  }
0x40: {  	_ =	shalt  }
0x41: {  	_ =	shalt  }
0x42: {  	_ =	shalt  }
0x43: {  	_ =	shalt  }
0x44: {  	_ =	shalt  }
0x45: {  	_ =	shalt  }
0x46: {  	_ =	shalt  }
0x47: {  	_ =	shalt  }
0x48: {  	_ =	shalt  }
0x49: {  	_ =	shalt  }
0x4a: {  	_ =	shalt  }
0x4b: {  	_ =	shalt  }
0x4c: {  	_ =	shalt  }
0x4d: {  	_ =	shalt  }
0x4e: {  	_ =	shalt  }
0x4f: {  	_ =	shalt  }
0x50: {  	_ =	shalt  }
0x51: {  	_ =	shalt  }
0x52: {  	_ =	shalt  }
0x53: {  	_ =	shalt  }
0x54: {  	_ =	shalt  }
0x55: {  	_ =	shalt  }
0x56: {  	_ =	shalt  }
0x57: {  	_ =	shalt  }
0x58: {  	_ =	shalt  }
0x59: {  	_ =	shalt  }
0x5a: {  	_ =	shalt  }
0x5b: {  	_ =	shalt  }
0x5c: {  	_ =	shalt  }
0x5d: {  	_ =	shalt  }
0x5e: {  	_ =	shalt  }
0x5f: {  	_ =	shalt  }
0x60: {  	_ =	shalt  }
0x61: {  	_ =	shalt  }
0x62: {  	_ =	shalt  }
0x63: {  	_ =	shalt  }
0x64: {  	_ =	shalt  }
0x65: {  	_ =	shalt  }
0x66: {  	_ =	shalt  }
0x67: {  	_ =	shalt  }
0x68: {  	_ =	shalt  }
0x69: {  	_ =	shalt  }
0x6a: {  	_ =	shalt  }
0x6b: {  	_ =	shalt  }
0x6c: {  	_ =	shalt  }
0x6d: {  	_ =	shalt  }
0x6e: {  	_ =	shalt  }
0x6f: {  	_ =	shalt  }
0x70: {  	_ =	shalt  }
0x71: {  	_ =	shalt  }
0x72: {  	_ =	shalt  }
0x73: {  	_ =	shalt  }
0x74: {  	_ =	shalt  }
0x75: {  	_ =	shalt  }
0x76: {  	_ =	shalt  }
0x77: {  	_ =	shalt  }
0x78: {  	_ =	shalt  }
0x79: {  	_ =	shalt  }
0x7a: {  	_ =	shalt  }
0x7b: {  	_ =	shalt  }
0x7c: {  	_ =	shalt  }
0x7d: {  	_ =	shalt  }
0x7e: {  	_ =	shalt  }
0x7f: {  	_ =	shalt  }
0x80: {  	_ =	shalt  }
0x81: {  	_ =	shalt  }
0x82: {  	_ =	shalt  }
0x83: {  	_ =	shalt  }
0x84: {  	_ =	shalt  }
0x85: {  	_ =	shalt  }
0x86: {  	_ =	shalt  }
0x87: {  	_ =	shalt  }
.Lfunc_end0:
.L_simem_size_0:
called_computation_lowered:
.L_overlay_start_0:
0x88: {  	s2 =	sld [smem:$0x3FD9]  }
0x89: {  	s3 =	sld [smem:$0x3FFE];
	_ =	sdelay $0x1  }
0x8a: {  	s1 =	srdreg.scid  }
0x8b: {  	s0 =	sand.u32 $0x1, s1  }
0x8c: {  	s14 =	sshll.u32 s0, $0xA;
	s2 =	sadd.s32 s3, s2  }
0x8d: {  	s2 =	sadd.s32 s2, s14  }
0x8e: {  	[smem:$0x3FC6] =	sst s2  }
0x8f: {  	_ = 	snop  }
0x90: {  	s2 =	sld [smem:$0x3FD0];
	_ =	sdelay $0x2  }
0x91: {  	s15 =	simm.s32 $0xA;
	s4 =	simm.s32 $0x10  }
0x92: {  	[smem:s4], [sflag:s15] =	dma.local [hbm:s2], $0x1  }
0x93: {  	_ =	swait.eq [sflag:s15], $0x1  }
0x94: {  	[sflag:s15] =	ssyncset.done $0x0  }
0x95: {  	[sflag:s15] =	ssyncadd.s32 $0xFFFFFFFF  }
0x96: {  	s16 =	sld [smem:$0x11];
	(tm) =	ssettm $0x1  }
0x97: {  	s17 =	sld [smem:$0x3FFB];
	_ =	sdelay $0x3  }
0x98: {  	_ =	strace s17  }
0x99: {  	s3 =	sld [smem:$0x3FFC];
	_ =	sdelay $0x3  }
0x9a: {  	_ =	strace s3  }
0x9b: {  	s3 =	sld [smem:$0x3FFD];
	_ =	sdelay $0x3  }
0x9c: {  	_ =	strace s3  }
0x9d: {  	_ =	strace $0x8FFFFFFF  }
0x9e: {  	s18 =	sld [smem:$0x3FDB];
	_ =	sdelay $0x1  }
0x9f: {  	s19 =	simm.s32 $_scs_section_size  }
0xa0: {  	s5 =	simm.s32 $_size__tile_overlayer_lowered;
	s6 =	simm.s32 $_tile_overlayer_lowered  }
0xa1: {  	s22 =	simm.s32 $0x1BFF;
	s21 =	sshll.u32 s6, $0x1;
	s3 =	sadd.s32 s19, s18  }
0xa2: {  	s7 =	simm.s32 $0x0;
	s20 =	sshll.u32 s5, $0x1;
	s5 =	sadd.s32 s21, s3  }
0xa3: {  	[timem:s7], [sflag:s22] =	dma.local [hbm:s5], s20  }
0xa4: {  	_ =	swait.ge [sflag:s22], s20  }
0xa5: {  	s4 =	ssub.s32 $0x0, s20;
	[sflag:s22] =	ssyncset.done $0x0  }
0xa6: {  	[sflag:s22] =	ssyncadd.s32 s4;
	_ =	sdelay $0x1  }
0xa7: {  	s23 =	simm.s32 $0x1B8B  }
0xa8: {  	_ =	swait.ge [sflag:s23], $0x1  }
0xa9: {  	[sflag:s23] =	ssyncset.done $0x0  }
0xaa: {  	s25 =	simm.s32 $0x1B8E;
	s24 =	sld [smem:$0x3FFE];
	[sflag:s23] =	ssyncadd.s32 $0xFFFFFFFF  }
0xab: {  	s26 =	simm.s32 $execute0_lowered;
	[smem:$0x3FD2] =	sst s25  }
0xac: {  	s5 =	sshll.u32 s26, $0x1;
	_ =	strace $0x80000046;
	[dreg:$0x1] =	wrdreg $0xFFFFFFFF  }
0xad: {  	s28 =	simm.s32 $_size_execute0_lowered;
	s3 =	sadd.s32 s3, s5;
	[dreg:$0x0] =	wrdreg $0x0  }
0xae: {  	s5 =	sshll.u32 s28, $0x1;
	[dreg:$0x2] =	wrdreg s3  }
0xaf: {  	[dreg:$0x3] =	wrdreg s5  }
0xb0: {  	[dreg:$0x4] =	wrdreg $0xC0  }
0xb1: {  	_ =	task [dreg:s7], $0x5FFFF  }
0xb2: {  	[dreg:$0x1] =	wrdreg $0xFFFFFFFF  }
0xb3: {  	[dreg:$0x0] =	wrdreg $0x60  }
0xb4: {  	[dreg:$0x2] =	wrdreg s24  }
0xb5: {  	[dreg:$0x3] =	wrdreg s16  }
0xb6: {  	[dreg:$0x4] =	wrdreg $0x0  }
0xb7: {  	[dreg:$0x5] =	wrdreg $0x9  }
0xb8: {  	_ =	task.clear_ibuf [dreg:s7], $0x6FFFF;
	_ =	strace $0x90000046  }
0xb9: {  	s29 =	simm.s32 $0x9;
	_ =	strace $0x80000048  }
0xba: {  	_ =	swait.ge [sflag:s29], $0x1  }
0xbb: {  	[sflag:s29] =	ssyncadd.s32 $0xFFFFFFFF  }
0xbc: {  	_ =	strace $0x90000048  }
0xbd: {  	_ =	sfence  }
0xbe: {  	s30 =	sld [smem:$0x0];
	_ =	sdelay $0x2  }
0xbf: {  	s31 =	sshll.u32 s1, $0xD;
	s1 =	sshrl.u32 s1, $0x2  }
0xc0: {  	s3 =	sand.u32 $0x4000, s31;
	s1 =	sadd.s32 s1, s30  }
0xc1: {  	s0 =	sor.u32 s3, s0;
	s1 =	sshll.u32 s1, $0x11  }
0xc2: {  	s0 =	sor.u32 s1, s0  }
0xc3: {  	s0 =	sadd.s32 $0x8F2B, s0  }
0xc4: {  	[sflag:s0] =	ssyncadd.remote.s32 $0x1  }
0xc5: {  	_ =	sfence.sel $0xFFFF  }
0xc6: {  	[dreg:$0x0] =	wrdreg $0xFFFFFFFF;
	(pc) =	sbr.abs _section_cstart, $3  }
0xc7: {  	[dreg:$0x1] =	wrdreg $0xFFFFFFFF  }
0xc8: {  	_ =	task.clear_ibuf [dreg:s7], $0x2FFFF;
	_ =	strace $0x9FFFFFFF  }
0xc9: {  	(tm) =	ssettm $0x7FFFFFFF  }
tec
execute0_lowered:
.L_overlay_start_1:
0x0: {  	(tag) =	ssettag $0x1  }
0x1: {  	s3 =	rddreg [dreg:$0x0]  }
0x2: {  	s6 =	rddreg [dreg:$0x1]  }
0x3: {  	s1 =	rddreg [dreg:$0x2]  }
0x4: {  	s4 =	srdreg.scid;
	s0 =	rddreg [dreg:$0x3]  }
0x5: {  	s2 =	simm.s32 $0x0;
	s9 =	stileid.u32;
	s11 =	simm.s32 $0x1  }
0x6: {  	s7 =	sand.u32 $0x1, s4;
	[smem:$0x7FF] =	sst s2;
	s3 =	sadd.s32 $0x2600, s3  }
0x7: {  	s30 =	sshll.u32 s9, $0xF;
	s8 =	sshll.u32 s9, $0xA;
	s31 =	sshll.u32 s9, $0x13  }
0x8: {  	p0 =	sne.s32 s9, $0x0;
	s10 =	sshll.u32 s9, $0x6;
	s4 =	ssub.s32 $0x2, s7  }
0x9: {  	_ =	strace $0x80000047;
	s9 =	sshrl.u32 @!p0 s1, $0x3;
	s5 =	sshrl.u32 s4, $0x1  }
0xa: {  	s5 =	ssub.s32 s4, s5;
	s4 =	sshll.u32 s7, $0x3;
	s7 =	sshll.u32 s7, $0x16  }
0xb: {  	s10 =	sor.u32 $0x1C01, s10;
	s5 =	smax.u32 s5, $0x1;
	s6 =	sadd.s32 s7, s6  }
0xc: {  	s7 =	sxor.u32 $0x3FF8, s8;
	s8 =	sxor.u32 $0x7FF000, s31;
	s6 =	sadd.s32 s30, s6  }
.LBB2_1:
0xd: {  	s12 =	smov.u32 s6;
	s13 =	simm.s32 $0x0  }
.LBB2_2:
0xe: {  	s14 =	sadd.s32 s4, s13  }
0xf: {  	s14 =	sshll.u32 @!p0 s14, $0x10  }
0x10: {  	s15 =	simm.s32 @!p0 $0x1C02;
	s14 =	sadd.s32 @!p0 s3, s14  }
0x11: {  	[spmem:s9], [sflag:s15] =	dma.local @!p0 [hbm:s14], $0x10000  }
0x12: {  	s30 =	sxor.u32 $0xFFFFFFFF, s8;
	s14 =	simm.s32 @!p0 $0x2  }
0x13: {  	s16 =	sadd.s32 $0x0, s7;
	s15 =	sand.u32 $0x78000, s30;
	_ =	swait.ge @!p0 [sflag:s14], $0x10000  }
0x14: {  	s16 =	sand.u32 $0x3C00, s16;
	s15 =	sadd.s32 s15, s1;
	[sflag:s14] =	ssyncset.done @!p0 $0x0  }
0x15: {  	s31 =	sadd.s32 s16, s15;
	[sflag:s14] =	ssyncadd.s32 @!p0 $0xFFFF0000  }
0x16: {  	s14 =	sshrl.u32 s31, $0x3;
	[bflag:$0x0] =	sbarrier.arrive $0xFFFF  }
0x17: {  	[hbm:s12], [sflag:s10] =	dma.local [spmem:s14], $0x800  }
0x18: {  	s15 =	sadd.s32 $0xFFFF8000, s8;
	s16 =	smov.u32 s12;
	s14 =	simm.s32 $0xFFFFFFC0  }
.LBB2_3:
0x19: {  	s17 =	sxor.u32 $0xFFFFFFFF, s15  }
0x1a: {  	p1 =	sne.s32 s14, $0xFFFFFC40;
	s18 =	smov.u32 s14;
	s14 =	sadd.s32 $0xFFFFFFC0, s14  }
.Ltmp0:
0x1b: {  	s17 =	sand.u32 $0x78000, s17;
	s18 =	sadd.s32 s18, s7;
	(pc) =	sbr.rel @p1 .LBB2_3-.Ltmp0, $4  }
0x1c: {  	s17 =	sadd.s32 s17, s1;
	s18 =	sand.u32 $0x3C00, s18  }
0x1d: {  	s17 =	sadd.s32 s18, s17  }
0x1e: {  	s15 =	sadd.s32 $0xFFFF8000, s15;
	s16 =	sadd.s32 $0x800, s16;
	s17 =	sshrl.u32 s17, $0x3  }
0x1f: {  	[hbm:s16], [sflag:s10] =	dma.local [spmem:s17], $0x800  }
0x20: {  	_ =	swait.ge [sflag:s11], $0x800  }
0x21: {  	[sflag:s11] =	ssyncset.done $0x0  }
0x22: {  	[sflag:s11] =	ssyncadd.s32 $0xFFFFF800  }
0x23: {  	_ =	swait.ge [sflag:s11], $0x800  }
0x24: {  	[sflag:s11] =	ssyncset.done $0x0  }
0x25: {  	[sflag:s11] =	ssyncadd.s32 $0xFFFFF800  }
0x26: {  	_ =	swait.ge [sflag:s11], $0x800  }
0x27: {  	[sflag:s11] =	ssyncset.done $0x0  }
0x28: {  	[sflag:s11] =	ssyncadd.s32 $0xFFFFF800  }
0x29: {  	_ =	swait.ge [sflag:s11], $0x800  }
0x2a: {  	[sflag:s11] =	ssyncset.done $0x0  }
0x2b: {  	[sflag:s11] =	ssyncadd.s32 $0xFFFFF800  }
0x2c: {  	_ =	swait.ge [sflag:s11], $0x800  }
0x2d: {  	[sflag:s11] =	ssyncset.done $0x0  }
0x2e: {  	[sflag:s11] =	ssyncadd.s32 $0xFFFFF800  }
0x2f: {  	_ =	swait.ge [sflag:s11], $0x800  }
0x30: {  	[sflag:s11] =	ssyncset.done $0x0  }
0x31: {  	[sflag:s11] =	ssyncadd.s32 $0xFFFFF800  }
0x32: {  	_ =	swait.ge [sflag:s11], $0x800  }
0x33: {  	[sflag:s11] =	ssyncset.done $0x0  }
0x34: {  	[sflag:s11] =	ssyncadd.s32 $0xFFFFF800  }
0x35: {  	_ =	swait.ge [sflag:s11], $0x800  }
0x36: {  	[sflag:s11] =	ssyncset.done $0x0  }
0x37: {  	[sflag:s11] =	ssyncadd.s32 $0xFFFFF800  }
0x38: {  	_ =	swait.ge [sflag:s11], $0x800  }
0x39: {  	[sflag:s11] =	ssyncset.done $0x0  }
0x3a: {  	[sflag:s11] =	ssyncadd.s32 $0xFFFFF800  }
0x3b: {  	_ =	swait.ge [sflag:s11], $0x800  }
0x3c: {  	[sflag:s11] =	ssyncset.done $0x0  }
0x3d: {  	[sflag:s11] =	ssyncadd.s32 $0xFFFFF800  }
0x3e: {  	_ =	swait.ge [sflag:s11], $0x800  }
0x3f: {  	[sflag:s11] =	ssyncset.done $0x0  }
0x40: {  	[sflag:s11] =	ssyncadd.s32 $0xFFFFF800  }
0x41: {  	_ =	swait.ge [sflag:s11], $0x800  }
0x42: {  	[sflag:s11] =	ssyncset.done $0x0  }
0x43: {  	[sflag:s11] =	ssyncadd.s32 $0xFFFFF800  }
0x44: {  	_ =	swait.ge [sflag:s11], $0x800  }
0x45: {  	[sflag:s11] =	ssyncset.done $0x0  }
0x46: {  	[sflag:s11] =	ssyncadd.s32 $0xFFFFF800  }
0x47: {  	_ =	swait.ge [sflag:s11], $0x800  }
0x48: {  	[sflag:s11] =	ssyncset.done $0x0  }
0x49: {  	[sflag:s11] =	ssyncadd.s32 $0xFFFFF800  }
0x4a: {  	_ =	swait.ge [sflag:s11], $0x800  }
0x4b: {  	s13 =	sadd.s32 $0x1, s13;
	[sflag:s11] =	ssyncset.done $0x0  }
0x4c: {  	p1 =	sne.s32 s13, $0x8;
	[sflag:s11] =	ssyncadd.s32 $0xFFFFF800  }
.Ltmp1:
0x4d: {  	_ =	swait.ge [sflag:s11], $0x800;
	(pc) =	sbr.rel @p1 .LBB2_2-.Ltmp1, $4  }
0x4e: {  	[sflag:s11] =	ssyncset.done $0x0  }
0x4f: {  	[sflag:s11] =	ssyncadd.s32 $0xFFFFF800  }
0x50: {  	[bflag:$0x0] =	sbarrier.arrive $0xFFFF  }
0x51: {  	s12 =	sadd.s32 $0x80000, s12  }
0x52: {  	s2 =	sadd.s32 $0x1, s2  }
0x53: {  	p1 =	sne.s32 s2, s5  }
.Ltmp2:
0x54: {  	_ = 	snop;
	(pc) =	sbr.rel @p1 .LBB2_1-.Ltmp2, $1  }
0x55: {  	_ =	sdelay $0x3  }
0x56: {  	_ =	sfence.sel $0x180000  }
0x57: {  	[bflag:$0x0] =	sbarrier.arrive $0xFFFF  }
0x58: {  	_ =	strace $0x90000047  }
0x59: {  	s0 =	sadd.s32 @!p0 $0x100000, s0;
	[bflag:$0x2] =	sbarrier.arrive $0xFFFF  }
0x5a: {  	[sflag:s0] =	ssyncadd.tile.s32 @!p0 $0x1;
	_ =	shalt  }
.Lfunc_end2:
_tile_overlayer_lowered:
.L_overlay_start_2:
0x5b: {  	(tag) =	ssettag $0x2  }
0x5c: {  	s0 =	rddreg [dreg:$0x0];
	s2 =	stileid.u32  }
0x5d: {  	s1 =	rddreg [dreg:$0x1];
	p0 =	sne.s32 s2, $0x0  }
0x5e: {  	s3 =	rddreg [dreg:$0x2];
	[bflag:$0x3] =	sbarrier.arrive $0xFFFF;
	s2 =	simm.s32 @!p0 $0x1C02  }
0x5f: {  	[timem:s3], [sflag:s2] =	dma.local @!p0 [hbm:s0], s1  }
0x60: {  	s0 =	simm.s32 @!p0 $0x2  }
0x61: {  	_ =	swait.ge @!p0 [sflag:s0], s1  }
0x62: {  	s1 =	ssub.s32 @!p0 $0x0, s1;
	[sflag:s0] =	ssyncset.done @!p0 $0x0  }
0x63: {  	[sflag:s0] =	ssyncadd.s32 @!p0 s1  }
0x64: {  	[bflag:$0x3] =	sbarrier.arrive $0xFFFF  }
0x65: {  	_ =	shalt  }

</sc_bundles>
